<compile_context>
chip_gen: v7x
topology: tpu7x:2x2x1
jax: 0.10.2.dev20260603
libtpu: 0.0.44.dev20260713+nightly
codegen_flags: <defaults>
</compile_context>

<pallas_src>
import functools

import jax
import jax.numpy as jnp
from jax import lax
from jax.experimental import pallas as pl
from jax.experimental.pallas import tpu as pltpu
from jax.experimental.pallas import tpu_sc as plsc

_N = 2_000_000
_S = 50_000
_SP = 50_048
_C = 3200
_NW = 32
_TOTAL_CHUNKS = _N // _C
_MAX_SLOTS = -(-_TOTAL_CHUNKS // _NW)
_L = 16
_MASK_HI = -65536


def _prep_body(a_ref, u_ref, l_ref, g_ref, p1_ref, p2_ref):
    a_ = jnp.maximum(a_ref[...], 0.0)
    u_ = jnp.maximum(u_ref[...], 0.0)
    lam = 0.2 * jax.nn.sigmoid(l_ref[...])
    lg = lam * jax.nn.sigmoid(g_ref[...])

    def pack(hi, lo):
        hb = lax.bitcast_convert_type(hi, jnp.int32)
        lb = lax.bitcast_convert_type(lo, jnp.int32)
        hb = (hb + 0x8000) & _MASK_HI
        lbr = lax.shift_right_logical(lb + 0x8000, 16)
        return hb | lbr

    p1_ref[...] = pack(a_, u_)
    p2_ref[...] = pack(lam, lg)


_prep = pl.pallas_call(
    _prep_body,
    out_shape=(jax.ShapeDtypeStruct((_S,), jnp.int32),
               jax.ShapeDtypeStruct((_S,), jnp.int32)),
)


def _make_sc_kernel():
    mesh = plsc.VectorSubcoreMesh(core_axis_name="c", subcore_axis_name="s")

    @functools.partial(
        pl.kernel,
        mesh=mesh,
        compiler_params=pltpu.CompilerParams(needs_layout_passes=False),
        out_type=jax.ShapeDtypeStruct((_NW, _L), jnp.float32),
        scratch_types=[
            pltpu.VMEM((_SP,), jnp.int32),
            pltpu.VMEM((_SP,), jnp.int32),
            pltpu.VMEM((_C,), jnp.float32),
            pltpu.VMEM((_C,), jnp.float32),
            pltpu.VMEM((_C,), jnp.float32),
            pltpu.VMEM((_C,), jnp.int32),
            pltpu.VMEM((_C,), jnp.float32),
            pltpu.VMEM((_C,), jnp.float32),
            pltpu.VMEM((_C,), jnp.float32),
            pltpu.VMEM((_C,), jnp.int32),
            pltpu.VMEM((_L,), jnp.float32),
            pltpu.SemaphoreType.DMA,
            pltpu.SemaphoreType.DMA,
            pltpu.SemaphoreType.DMA,
        ],
    )
    def sc_partial(y_hbm, j_hbm, k_hbm, sub_hbm, p1_hbm, p2_hbm,
                   out_hbm, p1_v, p2_v,
                   ya, ja, ka, sa, yb, jb, kb, sb, acc_v, sema, semb, semt):
        cid = lax.axis_index("c")
        sid = lax.axis_index("s")
        wid = sid * 2 + cid

        pltpu.async_copy(p1_hbm, p1_v.at[pl.ds(0, _S)], semt)
        pltpu.async_copy(p2_hbm, p2_v.at[pl.ds(0, _S)], semt)

        def slot_base(s):
            return pl.multiple_of((wid + s * _NW) * _C, 8)

        def issue(s, yv, jv, kv, sv, sem):
            @pl.when(wid + s * _NW < _TOTAL_CHUNKS)
            def _():
                base = slot_base(s)
                pltpu.async_copy(y_hbm.at[pl.ds(base, _C)], yv, sem)
                pltpu.async_copy(j_hbm.at[pl.ds(base, _C)], jv, sem)
                pltpu.async_copy(k_hbm.at[pl.ds(base, _C)], kv, sem)
                pltpu.async_copy(sub_hbm.at[pl.ds(base, _C)], sv, sem)

        def consume(s, yv, jv, kv, sv, sem):
            @pl.when(wid + s * _NW < _TOTAL_CHUNKS)
            def _():
                base = slot_base(s)
                pltpu.make_async_copy(y_hbm.at[pl.ds(base, _C)], yv, sem).wait()
                pltpu.make_async_copy(j_hbm.at[pl.ds(base, _C)], jv, sem).wait()
                pltpu.make_async_copy(k_hbm.at[pl.ds(base, _C)], kv, sem).wait()
                pltpu.make_async_copy(sub_hbm.at[pl.ds(base, _C)], sv, sem).wait()

                def vec_body(t, a2):
                    sl = pl.ds(t * _L, _L)
                    idx = sv[sl]
                    w1 = plsc.load_gather(p1_v, [idx])
                    w2 = plsc.load_gather(p2_v, [idx])
                    a_ = lax.bitcast_convert_type(w1 & _MASK_HI, jnp.float32)
                    u_ = lax.bitcast_convert_type(w1 << 16, jnp.float32)
                    l_ = lax.bitcast_convert_type(w2 & _MASK_HI, jnp.float32)
                    lg = lax.bitcast_convert_type(w2 << 16, jnp.float32)
                    mu = a_ - u_ * jnp.exp(-(l_ * jv[sl] + lg * kv[sl]))
                    d = yv[sl] - mu
                    return a2 + d * d

                contrib = plsc.parallel_loop(
                    0, _C // _L, unroll=8,
                    carry=jnp.zeros((_L,), jnp.float32))(vec_body)
                acc_v[...] = acc_v[...] + contrib

        acc_v[...] = jnp.zeros((_L,), jnp.float32)
        issue(0, ya, ja, ka, sa, sema)
        pltpu.make_async_copy(p1_hbm, p1_v.at[pl.ds(0, _S)], semt).wait()
        pltpu.make_async_copy(p2_hbm, p2_v.at[pl.ds(0, _S)], semt).wait()

        def pair_body(p, carry):
            s0 = 2 * p
            issue(s0 + 1, yb, jb, kb, sb, semb)
            consume(s0, ya, ja, ka, sa, sema)
            issue(s0 + 2, ya, ja, ka, sa, sema)
            consume(s0 + 1, yb, jb, kb, sb, semb)
            return carry

        lax.fori_loop(0, _MAX_SLOTS // 2, pair_body, jnp.int32(0))
        pltpu.sync_copy(acc_v, out_hbm.at[wid])

    return sc_partial


_sc_partial = _make_sc_kernel()


def _finish_body(p_ref, o_ref):
    o_ref[0, 0] = jnp.sqrt(jnp.sum(p_ref[...]) / _N)


_finish = pl.pallas_call(
    _finish_body,
    out_shape=jax.ShapeDtypeStruct((1, 1), jnp.float32),
    out_specs=pl.BlockSpec(memory_space=pltpu.SMEM),
)


def kernel(y, j, k, sub, A, U, Lambda, Gamma1):
    p1, p2 = _prep(A, U, Lambda, Gamma1)
    partials = _sc_partial(y, j, k, sub.astype(jnp.int32), p1, p2)
    return _finish(partials)[0, 0]

# --- scband reference (transcript-rebuilt; emitter-appended) ---
"""Pipeline reference for scband-first-model-65292092833890 (READ-ONLY COPY).

The authoritative reference and input builder live on the scoring server;
editing this copy changes nothing except your own understanding.
"""

import jax, jax.numpy as jnp
import numpy as np

N = 2_000_000
S = 50_000

def setup_inputs(seed: int = 0) -> dict:
    key = jax.random.key(seed)
    ks = jax.random.split(key, 8)
    y = jax.random.uniform(ks[0], (N,), dtype=jnp.float32)
    j = jax.random.uniform(ks[1], (N,), dtype=jnp.float32)
    k = jax.random.uniform(ks[2], (N,), dtype=jnp.float32)
    sub = jax.random.randint(ks[3], (N,), 0, S, dtype=jnp.int64) if jax.config.read('jax_enable_x64') else jax.random.randint(ks[3], (N,), 0, S, dtype=jnp.int32)
    y_mean = jnp.mean(y)
    # learned parameters, initialized as in the torch module __init__
    A = jax.random.normal(ks[4], (S,), dtype=jnp.float32) + y_mean
    U = jax.random.normal(ks[5], (S,), dtype=jnp.float32) + y_mean
    Lambda = jax.random.uniform(ks[6], (S,), dtype=jnp.float32)
    Gamma1 = jax.random.uniform(ks[7], (S,), dtype=jnp.float32)
    return {"y": y, "j": j, "k": k, "sub": sub, "A": A, "U": U, "Lambda": Lambda, "Gamma1": Gamma1}

def reference(y, j, k, sub, A, U, Lambda, Gamma1):
    # modify_params
    A_ = jax.nn.relu(A)
    U_ = jax.nn.relu(U)
    L_ = jax.nn.sigmoid(Lambda) * 0.2
    G_ = jax.nn.sigmoid(Gamma1)
    # compute_mu: gather per-subject params by sub, then elementwise exp model
    mu = jnp.take(A_, sub) - jnp.take(U_, sub) * jnp.exp(-jnp.take(L_, sub) * (j + jnp.take(G_, sub) * k))
    loss = jnp.sqrt(jnp.mean(jnp.square(y - mu)))
    return loss

if __name__ == "__main__":
    import jax
    _d = setup_inputs()
    print(jax.jit(kernel)(*tuple(_d.values())))

</pallas_src>

<mosaic_0001>
#map = affine_map<(d0, d1) -> (0)>
#map1 = affine_map<(d0, d1) -> (0, 0)>
module attributes {stable_mosaic.version = 14 : i64} {
  func.func @sc_partial(%arg0: i32, %arg1: i32, %arg2: memref<2000000xf32, #tpu.memory_space<hbm>>, %arg3: memref<2000000xf32, #tpu.memory_space<hbm>>, %arg4: memref<2000000xf32, #tpu.memory_space<hbm>>, %arg5: memref<2000000xi32, #tpu.memory_space<hbm>>, %arg6: memref<50000xi32, #tpu.memory_space<hbm>>, %arg7: memref<50000xi32, #tpu.memory_space<hbm>>, %arg8: memref<32x16xf32, #tpu.memory_space<hbm>>, %arg9: memref<50048xi32, #tpu.memory_space<vmem>>, %arg10: memref<50048xi32, #tpu.memory_space<vmem>>, %arg11: memref<3200xf32, #tpu.memory_space<vmem>>, %arg12: memref<3200xf32, #tpu.memory_space<vmem>>, %arg13: memref<3200xf32, #tpu.memory_space<vmem>>, %arg14: memref<3200xi32, #tpu.memory_space<vmem>>, %arg15: memref<3200xf32, #tpu.memory_space<vmem>>, %arg16: memref<3200xf32, #tpu.memory_space<vmem>>, %arg17: memref<3200xf32, #tpu.memory_space<vmem>>, %arg18: memref<3200xi32, #tpu.memory_space<vmem>>, %arg19: memref<16xf32, #tpu.memory_space<vmem>>, %arg20: memref<!tpu.dma_semaphore, #tpu.memory_space<semaphore_mem>>, %arg21: memref<!tpu.dma_semaphore, #tpu.memory_space<semaphore_mem>>, %arg22: memref<!tpu.dma_semaphore, #tpu.memory_space<semaphore_mem>>) attributes {dimension_semantics = [#tpu.dimension_semantics<core_parallel>, #tpu.dimension_semantics<subcore_parallel>], iteration_bounds = array<i64: 2, 16>, scalar_prefetch = 0 : i64, scratch_operands = 14 : i64, tpu.core_type = #tpu.core_type<sc_vector_subcore>, window_params = [{transform_indices = #map}, {transform_indices = #map}, {transform_indices = #map}, {transform_indices = #map}, {transform_indices = #map}, {transform_indices = #map}, {transform_indices = #map1}]} {
    %mul3A = arith.constant 2 : i32
    %mul3A_0 = arith.muli %arg1, %mul3A : i32
    %add3A = arith.addi %mul3A_0, %arg0 : i32
    %dma_start3A = arith.constant 0 : i32
    %dma_start3A_1 = tpu.memref_slice %arg9[%dma_start3A] : memref<50048xi32, #tpu.memory_space<vmem>> -> memref<50000xi32, #tpu.memory_space<vmem>>
    %dma_start3A_2 = arith.constant 0 : i32
    %dma_start3A_3 = tpu.memref_slice %arg9[%dma_start3A_2] : memref<50048xi32, #tpu.memory_space<vmem>> -> memref<50000xi32, #tpu.memory_space<vmem>>
    tpu.enqueue_dma source(%arg6 : memref<50000xi32, #tpu.memory_space<hbm>>) target(%dma_start3A_3 : memref<50000xi32, #tpu.memory_space<vmem>>) target_semaphore(%arg22 : memref<!tpu.dma_semaphore, #tpu.memory_space<semaphore_mem>>)
    %dma_start3A_4 = arith.constant 0 : i32
    %dma_start3A_5 = tpu.memref_slice %arg10[%dma_start3A_4] : memref<50048xi32, #tpu.memory_space<vmem>> -> memref<50000xi32, #tpu.memory_space<vmem>>
    %dma_start3A_6 = arith.constant 0 : i32
    %dma_start3A_7 = tpu.memref_slice %arg10[%dma_start3A_6] : memref<50048xi32, #tpu.memory_space<vmem>> -> memref<50000xi32, #tpu.memory_space<vmem>>
    tpu.enqueue_dma source(%arg7 : memref<50000xi32, #tpu.memory_space<hbm>>) target(%dma_start3A_7 : memref<50000xi32, #tpu.memory_space<vmem>>) target_semaphore(%arg22 : memref<!tpu.dma_semaphore, #tpu.memory_space<semaphore_mem>>)
    %broadcast_in_dim3A = arith.constant 0.000000e+00 : f32
    %broadcast_in_dim3A_8 = vector.broadcast %broadcast_in_dim3A : f32 to vector<16xf32>
    %swap3A = arith.constant 0 : index
    %swap3A_9 = tpu.vector_load %arg19[%swap3A] {strides = array<i32>} : memref<16xf32, #tpu.memory_space<vmem>>, vector<16xf32>,
    tpu.vector_store %arg19[%swap3A], %broadcast_in_dim3A_8 {strides = array<i32>} : memref<16xf32, #tpu.memory_space<vmem>>, vector<16xf32>,
    %add3A_10 = arith.constant 0 : i32
    %add3A_11 = arith.addi %add3A, %add3A_10 : i32
    %lt3A = arith.constant 625 : i32
    %lt3A_12 = arith.cmpi slt, %add3A_11, %lt3A : i32
    %convert_element_type3A = arith.extui %lt3A_12 : i1 to i32
    %cond3A = arith.constant 0 : i32
    %cond3A_13 = arith.cmpi ne, %convert_element_type3A, %cond3A : i32
    scf.if %cond3A_13 {
      %add3A_26 = arith.constant 0 : i32
      %add3A_27 = arith.addi %add3A, %add3A_26 : i32
      %mul3A_28 = arith.constant 3200 : i32
      %mul3A_29 = arith.muli %add3A_27, %mul3A_28 : i32
      %multiple_of3A = tpu.assume_multiple %mul3A_29, 8 : i32
      %dma_start3A_30 = tpu.memref_slice %arg2[%multiple_of3A] : memref<2000000xf32, #tpu.memory_space<hbm>> -> memref<3200xf32, #tpu.memory_space<hbm>>
      %dma_start3A_31 = tpu.memref_slice %arg2[%multiple_of3A] : memref<2000000xf32, #tpu.memory_space<hbm>> -> memref<3200xf32, #tpu.memory_space<hbm>>
      tpu.enqueue_dma source(%dma_start3A_31 : memref<3200xf32, #tpu.memory_space<hbm>>) target(%arg11 : memref<3200xf32, #tpu.memory_space<vmem>>) target_semaphore(%arg20 : memref<!tpu.dma_semaphore, #tpu.memory_space<semaphore_mem>>)
      %dma_start3A_32 = tpu.memref_slice %arg3[%multiple_of3A] : memref<2000000xf32, #tpu.memory_space<hbm>> -> memref<3200xf32, #tpu.memory_space<hbm>>
      %dma_start3A_33 = tpu.memref_slice %arg3[%multiple_of3A] : memref<2000000xf32, #tpu.memory_space<hbm>> -> memref<3200xf32, #tpu.memory_space<hbm>>
      tpu.enqueue_dma source(%dma_start3A_33 : memref<3200xf32, #tpu.memory_space<hbm>>) target(%arg12 : memref<3200xf32, #tpu.memory_space<vmem>>) target_semaphore(%arg20 : memref<!tpu.dma_semaphore, #tpu.memory_space<semaphore_mem>>)
      %dma_start3A_34 = tpu.memref_slice %arg4[%multiple_of3A] : memref<2000000xf32, #tpu.memory_space<hbm>> -> memref<3200xf32, #tpu.memory_space<hbm>>
      %dma_start3A_35 = tpu.memref_slice %arg4[%multiple_of3A] : memref<2000000xf32, #tpu.memory_space<hbm>> -> memref<3200xf32, #tpu.memory_space<hbm>>
      tpu.enqueue_dma source(%dma_start3A_35 : memref<3200xf32, #tpu.memory_space<hbm>>) target(%arg13 : memref<3200xf32, #tpu.memory_space<vmem>>) target_semaphore(%arg20 : memref<!tpu.dma_semaphore, #tpu.memory_space<semaphore_mem>>)
      %dma_start3A_36 = tpu.memref_slice %arg5[%multiple_of3A] : memref<2000000xi32, #tpu.memory_space<hbm>> -> memref<3200xi32, #tpu.memory_space<hbm>>
      %dma_start3A_37 = tpu.memref_slice %arg5[%multiple_of3A] : memref<2000000xi32, #tpu.memory_space<hbm>> -> memref<3200xi32, #tpu.memory_space<hbm>>
      tpu.enqueue_dma source(%dma_start3A_37 : memref<3200xi32, #tpu.memory_space<hbm>>) target(%arg14 : memref<3200xi32, #tpu.memory_space<vmem>>) target_semaphore(%arg20 : memref<!tpu.dma_semaphore, #tpu.memory_space<semaphore_mem>>)
    } else {
    }
    %dma_wait3A = arith.constant 0 : i32
    %dma_wait3A_14 = tpu.memref_slice %arg9[%dma_wait3A] : memref<50048xi32, #tpu.memory_space<vmem>> -> memref<50000xi32, #tpu.memory_space<vmem>>
    %dma_wait3A_15 = arith.constant 0 : i32
    %dma_wait3A_16 = tpu.memref_slice %arg9[%dma_wait3A_15] : memref<50048xi32, #tpu.memory_space<vmem>> -> memref<50000xi32, #tpu.memory_space<vmem>>
    tpu.wait_dma2 semaphore(%arg22 : memref<!tpu.dma_semaphore, #tpu.memory_space<semaphore_mem>>) src(%arg6 : memref<50000xi32, #tpu.memory_space<hbm>>) dst(%dma_wait3A_16 : memref<50000xi32, #tpu.memory_space<vmem>>)
    %dma_wait3A_17 = arith.constant 0 : i32
    %dma_wait3A_18 = tpu.memref_slice %arg10[%dma_wait3A_17] : memref<50048xi32, #tpu.memory_space<vmem>> -> memref<50000xi32, #tpu.memory_space<vmem>>
    %dma_wait3A_19 = arith.constant 0 : i32
    %dma_wait3A_20 = tpu.memref_slice %arg10[%dma_wait3A_19] : memref<50048xi32, #tpu.memory_space<vmem>> -> memref<50000xi32, #tpu.memory_space<vmem>>
    tpu.wait_dma2 semaphore(%arg22 : memref<!tpu.dma_semaphore, #tpu.memory_space<semaphore_mem>>) src(%arg7 : memref<50000xi32, #tpu.memory_space<hbm>>) dst(%dma_wait3A_20 : memref<50000xi32, #tpu.memory_space<vmem>>)
    %scan3A = arith.constant 0 : i32
    %scan3A_21 = arith.constant 0 : i32
    %scan3A_22 = arith.constant 10 : i32
    %scan3A_23 = arith.addi %scan3A_21, %scan3A_22 : i32
    %scan3A_24 = arith.constant 1 : i32
    scf.for %scan3A_26 = %scan3A_21 to %scan3A_23 step %scan3A_24  : i32 {
      %mul3A_27 = arith.constant 2 : i32
      %mul3A_28 = arith.muli %mul3A_27, %scan3A_26 : i32
      %add3A_29 = arith.constant 1 : i32
      %add3A_30 = arith.addi %mul3A_28, %add3A_29 : i32
      %mul3A_31 = arith.constant 32 : i32
      %mul3A_32 = arith.muli %add3A_30, %mul3A_31 : i32
      %add3A_33 = arith.addi %add3A, %mul3A_32 : i32
      %lt3A_34 = arith.constant 625 : i32
      %lt3A_35 = arith.cmpi slt, %add3A_33, %lt3A_34 : i32
      %convert_element_type3A_36 = arith.extui %lt3A_35 : i1 to i32
      %cond3A_37 = arith.constant 0 : i32
      %cond3A_38 = arith.cmpi ne, %convert_element_type3A_36, %cond3A_37 : i32
      scf.if %cond3A_38 {
        %mul3A_67 = arith.constant 32 : i32
        %mul3A_68 = arith.muli %add3A_30, %mul3A_67 : i32
        %add3A_69 = arith.addi %add3A, %mul3A_68 : i32
        %mul3A_70 = arith.constant 3200 : i32
        %mul3A_71 = arith.muli %add3A_69, %mul3A_70 : i32
        %multiple_of3A = tpu.assume_multiple %mul3A_71, 8 : i32
        %dma_start3A_72 = tpu.memref_slice %arg2[%multiple_of3A] : memref<2000000xf32, #tpu.memory_space<hbm>> -> memref<3200xf32, #tpu.memory_space<hbm>>
        %dma_start3A_73 = tpu.memref_slice %arg2[%multiple_of3A] : memref<2000000xf32, #tpu.memory_space<hbm>> -> memref<3200xf32, #tpu.memory_space<hbm>>
        tpu.enqueue_dma source(%dma_start3A_73 : memref<3200xf32, #tpu.memory_space<hbm>>) target(%arg15 : memref<3200xf32, #tpu.memory_space<vmem>>) target_semaphore(%arg21 : memref<!tpu.dma_semaphore, #tpu.memory_space<semaphore_mem>>)
        %dma_start3A_74 = tpu.memref_slice %arg3[%multiple_of3A] : memref<2000000xf32, #tpu.memory_space<hbm>> -> memref<3200xf32, #tpu.memory_space<hbm>>
        %dma_start3A_75 = tpu.memref_slice %arg3[%multiple_of3A] : memref<2000000xf32, #tpu.memory_space<hbm>> -> memref<3200xf32, #tpu.memory_space<hbm>>
        tpu.enqueue_dma source(%dma_start3A_75 : memref<3200xf32, #tpu.memory_space<hbm>>) target(%arg16 : memref<3200xf32, #tpu.memory_space<vmem>>) target_semaphore(%arg21 : memref<!tpu.dma_semaphore, #tpu.memory_space<semaphore_mem>>)
        %dma_start3A_76 = tpu.memref_slice %arg4[%multiple_of3A] : memref<2000000xf32, #tpu.memory_space<hbm>> -> memref<3200xf32, #tpu.memory_space<hbm>>
        %dma_start3A_77 = tpu.memref_slice %arg4[%multiple_of3A] : memref<2000000xf32, #tpu.memory_space<hbm>> -> memref<3200xf32, #tpu.memory_space<hbm>>
        tpu.enqueue_dma source(%dma_start3A_77 : memref<3200xf32, #tpu.memory_space<hbm>>) target(%arg17 : memref<3200xf32, #tpu.memory_space<vmem>>) target_semaphore(%arg21 : memref<!tpu.dma_semaphore, #tpu.memory_space<semaphore_mem>>)
        %dma_start3A_78 = tpu.memref_slice %arg5[%multiple_of3A] : memref<2000000xi32, #tpu.memory_space<hbm>> -> memref<3200xi32, #tpu.memory_space<hbm>>
        %dma_start3A_79 = tpu.memref_slice %arg5[%multiple_of3A] : memref<2000000xi32, #tpu.memory_space<hbm>> -> memref<3200xi32, #tpu.memory_space<hbm>>
        tpu.enqueue_dma source(%dma_start3A_79 : memref<3200xi32, #tpu.memory_space<hbm>>) target(%arg18 : memref<3200xi32, #tpu.memory_space<vmem>>) target_semaphore(%arg21 : memref<!tpu.dma_semaphore, #tpu.memory_space<semaphore_mem>>)
      } else {
      }
      %mul3A_39 = arith.constant 32 : i32
      %mul3A_40 = arith.muli %mul3A_28, %mul3A_39 : i32
      %add3A_41 = arith.addi %add3A, %mul3A_40 : i32
      %lt3A_42 = arith.constant 625 : i32
      %lt3A_43 = arith.cmpi slt, %add3A_41, %lt3A_42 : i32
      %convert_element_type3A_44 = arith.extui %lt3A_43 : i1 to i32
      %cond3A_45 = arith.constant 0 : i32
      %cond3A_46 = arith.cmpi ne, %convert_element_type3A_44, %cond3A_45 : i32
      scf.if %cond3A_46 {
        %mul3A_67 = arith.constant 32 : i32
        %mul3A_68 = arith.muli %mul3A_28, %mul3A_67 : i32
        %add3A_69 = arith.addi %add3A, %mul3A_68 : i32
        %mul3A_70 = arith.constant 3200 : i32
        %mul3A_71 = arith.muli %add3A_69, %mul3A_70 : i32
        %multiple_of3A = tpu.assume_multiple %mul3A_71, 8 : i32
        %dma_wait3A_72 = tpu.memref_slice %arg2[%multiple_of3A] : memref<2000000xf32, #tpu.memory_space<hbm>> -> memref<3200xf32, #tpu.memory_space<hbm>>
        %dma_wait3A_73 = tpu.memref_slice %arg2[%multiple_of3A] : memref<2000000xf32, #tpu.memory_space<hbm>> -> memref<3200xf32, #tpu.memory_space<hbm>>
        tpu.wait_dma2 semaphore(%arg20 : memref<!tpu.dma_semaphore, #tpu.memory_space<semaphore_mem>>) src(%dma_wait3A_73 : memref<3200xf32, #tpu.memory_space<hbm>>) dst(%arg11 : memref<3200xf32, #tpu.memory_space<vmem>>)
        %dma_wait3A_74 = tpu.memref_slice %arg3[%multiple_of3A] : memref<2000000xf32, #tpu.memory_space<hbm>> -> memref<3200xf32, #tpu.memory_space<hbm>>
        %dma_wait3A_75 = tpu.memref_slice %arg3[%multiple_of3A] : memref<2000000xf32, #tpu.memory_space<hbm>> -> memref<3200xf32, #tpu.memory_space<hbm>>
        tpu.wait_dma2 semaphore(%arg20 : memref<!tpu.dma_semaphore, #tpu.memory_space<semaphore_mem>>) src(%dma_wait3A_75 : memref<3200xf32, #tpu.memory_space<hbm>>) dst(%arg12 : memref<3200xf32, #tpu.memory_space<vmem>>)
        %dma_wait3A_76 = tpu.memref_slice %arg4[%multiple_of3A] : memref<2000000xf32, #tpu.memory_space<hbm>> -> memref<3200xf32, #tpu.memory_space<hbm>>
        %dma_wait3A_77 = tpu.memref_slice %arg4[%multiple_of3A] : memref<2000000xf32, #tpu.memory_space<hbm>> -> memref<3200xf32, #tpu.memory_space<hbm>>
        tpu.wait_dma2 semaphore(%arg20 : memref<!tpu.dma_semaphore, #tpu.memory_space<semaphore_mem>>) src(%dma_wait3A_77 : memref<3200xf32, #tpu.memory_space<hbm>>) dst(%arg13 : memref<3200xf32, #tpu.memory_space<vmem>>)
        %dma_wait3A_78 = tpu.memref_slice %arg5[%multiple_of3A] : memref<2000000xi32, #tpu.memory_space<hbm>> -> memref<3200xi32, #tpu.memory_space<hbm>>
        %dma_wait3A_79 = tpu.memref_slice %arg5[%multiple_of3A] : memref<2000000xi32, #tpu.memory_space<hbm>> -> memref<3200xi32, #tpu.memory_space<hbm>>
        tpu.wait_dma2 semaphore(%arg20 : memref<!tpu.dma_semaphore, #tpu.memory_space<semaphore_mem>>) src(%dma_wait3A_79 : memref<3200xi32, #tpu.memory_space<hbm>>) dst(%arg14 : memref<3200xi32, #tpu.memory_space<vmem>>)
        %broadcast_in_dim3A_80 = arith.constant 0.000000e+00 : f32
        %broadcast_in_dim3A_81 = vector.broadcast %broadcast_in_dim3A_80 : f32 to vector<16xf32>
        %parallel_loop3A = arith.constant 0 : i32
        %parallel_loop3A_82 = arith.constant 200 : i32
        %parallel_loop3A_83 = arith.constant 1 : i32
        %parallel_loop3A_84 = scf.for %parallel_loop3A_89 = %parallel_loop3A to %parallel_loop3A_82 step %parallel_loop3A_83 iter_args(%parallel_loop3A_90 = %broadcast_in_dim3A_81) -> (vector<16xf32>)  : i32 {
          %parallel_loop3A_91 = arith.constant 16 : i32
          %parallel_loop3A_92 = arith.muli %parallel_loop3A_89, %parallel_loop3A_91 : i32
          %parallel_loop3A_93 = arith.index_cast %parallel_loop3A_92 : i32 to index
          %parallel_loop3A_94 = tpu.vector_load %arg14[%parallel_loop3A_93] {strides = array<i32>} : memref<3200xi32, #tpu.memory_space<vmem>>, vector<16xi32>,
          %parallel_loop3A_95 = tpu.vector_load_idx %arg9[%parallel_loop3A_94] : memref<50048xi32, #tpu.memory_space<vmem>>[vector<16xi32>], vector<16xi32>,
          %parallel_loop3A_96 = tpu.vector_load_idx %arg10[%parallel_loop3A_94] : memref<50048xi32, #tpu.memory_space<vmem>>[vector<16xi32>], vector<16xi32>,
          %parallel_loop3A_97 = arith.constant -65536 : i32
          %parallel_loop3A_98 = vector.broadcast %parallel_loop3A_97 : i32 to vector<16xi32>
          %parallel_loop3A_99 = arith.andi %parallel_loop3A_95, %parallel_loop3A_98 : vector<16xi32>
          %parallel_loop3A_100 = tpu.bitcast %parallel_loop3A_99 : vector<16xi32> -> vector<16xf32>
          %parallel_loop3A_101 = arith.constant 16 : i32
          %parallel_loop3A_102 = vector.broadcast %parallel_loop3A_101 : i32 to vector<16xi32>
          %parallel_loop3A_103 = arith.shli %parallel_loop3A_95, %parallel_loop3A_102 : vector<16xi32>
          %parallel_loop3A_104 = tpu.bitcast %parallel_loop3A_103 : vector<16xi32> -> vector<16xf32>
          %parallel_loop3A_105 = arith.constant -65536 : i32
          %parallel_loop3A_106 = vector.broadcast %parallel_loop3A_105 : i32 to vector<16xi32>
          %parallel_loop3A_107 = arith.andi %parallel_loop3A_96, %parallel_loop3A_106 : vector<16xi32>
          %parallel_loop3A_108 = tpu.bitcast %parallel_loop3A_107 : vector<16xi32> -> vector<16xf32>
          %parallel_loop3A_109 = arith.constant 16 : i32
          %parallel_loop3A_110 = vector.broadcast %parallel_loop3A_109 : i32 to vector<16xi32>
          %parallel_loop3A_111 = arith.shli %parallel_loop3A_96, %parallel_loop3A_110 : vector<16xi32>
          %parallel_loop3A_112 = tpu.bitcast %parallel_loop3A_111 : vector<16xi32> -> vector<16xf32>
          %parallel_loop3A_113 = arith.index_cast %parallel_loop3A_92 : i32 to index
          %parallel_loop3A_114 = tpu.vector_load %arg12[%parallel_loop3A_113] {strides = array<i32>} : memref<3200xf32, #tpu.memory_space<vmem>>, vector<16xf32>,
          %parallel_loop3A_115 = arith.mulf %parallel_loop3A_108, %parallel_loop3A_114 : vector<16xf32>
          %parallel_loop3A_116 = arith.index_cast %parallel_loop3A_92 : i32 to index
          %parallel_loop3A_117 = tpu.vector_load %arg13[%parallel_loop3A_116] {strides = array<i32>} : memref<3200xf32, #tpu.memory_space<vmem>>, vector<16xf32>,
          %parallel_loop3A_118 = arith.mulf %parallel_loop3A_112, %parallel_loop3A_117 : vector<16xf32>
          %parallel_loop3A_119 = arith.addf %parallel_loop3A_115, %parallel_loop3A_118 : vector<16xf32>
          %parallel_loop3A_120 = arith.constant 0.000000e+00 : f32
          %parallel_loop3A_121 = vector.broadcast %parallel_loop3A_120 : f32 to vector<16xf32>
          %parallel_loop3A_122 = arith.subf %parallel_loop3A_121, %parallel_loop3A_119 : vector<16xf32>
          %parallel_loop3A_123 = math.exp %parallel_loop3A_122 : vector<16xf32>
          %parallel_loop3A_124 = arith.mulf %parallel_loop3A_104, %parallel_loop3A_123 : vector<16xf32>
          %parallel_loop3A_125 = arith.subf %parallel_loop3A_100, %parallel_loop3A_124 : vector<16xf32>
          %parallel_loop3A_126 = arith.index_cast %parallel_loop3A_92 : i32 to index
          %parallel_loop3A_127 = tpu.vector_load %arg11[%parallel_loop3A_126] {strides = array<i32>} : memref<3200xf32, #tpu.memory_space<vmem>>, vector<16xf32>,
          %parallel_loop3A_128 = arith.subf %parallel_loop3A_127, %parallel_loop3A_125 : vector<16xf32>
          %parallel_loop3A_129 = arith.mulf %parallel_loop3A_128, %parallel_loop3A_128 : vector<16xf32>
          %parallel_loop3A_130 = arith.addf %parallel_loop3A_90, %parallel_loop3A_129 : vector<16xf32>
          scf.yield %parallel_loop3A_130 : vector<16xf32>
        } {sc.loop_unroll_factor = 8 : i64, sc.parallel_access}
        %get3A = arith.constant 0 : index
        %get3A_85 = tpu.vector_load %arg19[%get3A] {strides = array<i32>} : memref<16xf32, #tpu.memory_space<vmem>>, vector<16xf32>,
        %add3A_86 = arith.addf %get3A_85, %parallel_loop3A_84 : vector<16xf32>
        %swap3A_87 = arith.constant 0 : index
        %swap3A_88 = tpu.vector_load %arg19[%swap3A_87] {strides = array<i32>} : memref<16xf32, #tpu.memory_space<vmem>>, vector<16xf32>,
        tpu.vector_store %arg19[%swap3A_87], %add3A_86 {strides = array<i32>} : memref<16xf32, #tpu.memory_space<vmem>>, vector<16xf32>,
      } else {
      }
      %add3A_47 = arith.constant 2 : i32
      %add3A_48 = arith.addi %mul3A_28, %add3A_47 : i32
      %mul3A_49 = arith.constant 32 : i32
      %mul3A_50 = arith.muli %add3A_48, %mul3A_49 : i32
      %add3A_51 = arith.addi %add3A, %mul3A_50 : i32
      %lt3A_52 = arith.constant 625 : i32
      %lt3A_53 = arith.cmpi slt, %add3A_51, %lt3A_52 : i32
      %convert_element_type3A_54 = arith.extui %lt3A_53 : i1 to i32
      %cond3A_55 = arith.constant 0 : i32
      %cond3A_56 = arith.cmpi ne, %convert_element_type3A_54, %cond3A_55 : i32
      scf.if %cond3A_56 {
        %mul3A_67 = arith.constant 32 : i32
        %mul3A_68 = arith.muli %add3A_48, %mul3A_67 : i32
        %add3A_69 = arith.addi %add3A, %mul3A_68 : i32
        %mul3A_70 = arith.constant 3200 : i32
        %mul3A_71 = arith.muli %add3A_69, %mul3A_70 : i32
        %multiple_of3A = tpu.assume_multiple %mul3A_71, 8 : i32
        %dma_start3A_72 = tpu.memref_slice %arg2[%multiple_of3A] : memref<2000000xf32, #tpu.memory_space<hbm>> -> memref<3200xf32, #tpu.memory_space<hbm>>
        %dma_start3A_73 = tpu.memref_slice %arg2[%multiple_of3A] : memref<2000000xf32, #tpu.memory_space<hbm>> -> memref<3200xf32, #tpu.memory_space<hbm>>
        tpu.enqueue_dma source(%dma_start3A_73 : memref<3200xf32, #tpu.memory_space<hbm>>) target(%arg11 : memref<3200xf32, #tpu.memory_space<vmem>>) target_semaphore(%arg20 : memref<!tpu.dma_semaphore, #tpu.memory_space<semaphore_mem>>)
        %dma_start3A_74 = tpu.memref_slice %arg3[%multiple_of3A] : memref<2000000xf32, #tpu.memory_space<hbm>> -> memref<3200xf32, #tpu.memory_space<hbm>>
        %dma_start3A_75 = tpu.memref_slice %arg3[%multiple_of3A] : memref<2000000xf32, #tpu.memory_space<hbm>> -> memref<3200xf32, #tpu.memory_space<hbm>>
        tpu.enqueue_dma source(%dma_start3A_75 : memref<3200xf32, #tpu.memory_space<hbm>>) target(%arg12 : memref<3200xf32, #tpu.memory_space<vmem>>) target_semaphore(%arg20 : memref<!tpu.dma_semaphore, #tpu.memory_space<semaphore_mem>>)
        %dma_start3A_76 = tpu.memref_slice %arg4[%multiple_of3A] : memref<2000000xf32, #tpu.memory_space<hbm>> -> memref<3200xf32, #tpu.memory_space<hbm>>
        %dma_start3A_77 = tpu.memref_slice %arg4[%multiple_of3A] : memref<2000000xf32, #tpu.memory_space<hbm>> -> memref<3200xf32, #tpu.memory_space<hbm>>
        tpu.enqueue_dma source(%dma_start3A_77 : memref<3200xf32, #tpu.memory_space<hbm>>) target(%arg13 : memref<3200xf32, #tpu.memory_space<vmem>>) target_semaphore(%arg20 : memref<!tpu.dma_semaphore, #tpu.memory_space<semaphore_mem>>)
        %dma_start3A_78 = tpu.memref_slice %arg5[%multiple_of3A] : memref<2000000xi32, #tpu.memory_space<hbm>> -> memref<3200xi32, #tpu.memory_space<hbm>>
        %dma_start3A_79 = tpu.memref_slice %arg5[%multiple_of3A] : memref<2000000xi32, #tpu.memory_space<hbm>> -> memref<3200xi32, #tpu.memory_space<hbm>>
        tpu.enqueue_dma source(%dma_start3A_79 : memref<3200xi32, #tpu.memory_space<hbm>>) target(%arg14 : memref<3200xi32, #tpu.memory_space<vmem>>) target_semaphore(%arg20 : memref<!tpu.dma_semaphore, #tpu.memory_space<semaphore_mem>>)
      } else {
      }
      %add3A_57 = arith.constant 1 : i32
      %add3A_58 = arith.addi %mul3A_28, %add3A_57 : i32
      %mul3A_59 = arith.constant 32 : i32
      %mul3A_60 = arith.muli %add3A_58, %mul3A_59 : i32
      %add3A_61 = arith.addi %add3A, %mul3A_60 : i32
      %lt3A_62 = arith.constant 625 : i32
      %lt3A_63 = arith.cmpi slt, %add3A_61, %lt3A_62 : i32
      %convert_element_type3A_64 = arith.extui %lt3A_63 : i1 to i32
      %cond3A_65 = arith.constant 0 : i32
      %cond3A_66 = arith.cmpi ne, %convert_element_type3A_64, %cond3A_65 : i32
      scf.if %cond3A_66 {
        %mul3A_67 = arith.constant 32 : i32
        %mul3A_68 = arith.muli %add3A_58, %mul3A_67 : i32
        %add3A_69 = arith.addi %add3A, %mul3A_68 : i32
        %mul3A_70 = arith.constant 3200 : i32
        %mul3A_71 = arith.muli %add3A_69, %mul3A_70 : i32
        %multiple_of3A = tpu.assume_multiple %mul3A_71, 8 : i32
        %dma_wait3A_72 = tpu.memref_slice %arg2[%multiple_of3A] : memref<2000000xf32, #tpu.memory_space<hbm>> -> memref<3200xf32, #tpu.memory_space<hbm>>
        %dma_wait3A_73 = tpu.memref_slice %arg2[%multiple_of3A] : memref<2000000xf32, #tpu.memory_space<hbm>> -> memref<3200xf32, #tpu.memory_space<hbm>>
        tpu.wait_dma2 semaphore(%arg21 : memref<!tpu.dma_semaphore, #tpu.memory_space<semaphore_mem>>) src(%dma_wait3A_73 : memref<3200xf32, #tpu.memory_space<hbm>>) dst(%arg15 : memref<3200xf32, #tpu.memory_space<vmem>>)
        %dma_wait3A_74 = tpu.memref_slice %arg3[%multiple_of3A] : memref<2000000xf32, #tpu.memory_space<hbm>> -> memref<3200xf32, #tpu.memory_space<hbm>>
        %dma_wait3A_75 = tpu.memref_slice %arg3[%multiple_of3A] : memref<2000000xf32, #tpu.memory_space<hbm>> -> memref<3200xf32, #tpu.memory_space<hbm>>
        tpu.wait_dma2 semaphore(%arg21 : memref<!tpu.dma_semaphore, #tpu.memory_space<semaphore_mem>>) src(%dma_wait3A_75 : memref<3200xf32, #tpu.memory_space<hbm>>) dst(%arg16 : memref<3200xf32, #tpu.memory_space<vmem>>)
        %dma_wait3A_76 = tpu.memref_slice %arg4[%multiple_of3A] : memref<2000000xf32, #tpu.memory_space<hbm>> -> memref<3200xf32, #tpu.memory_space<hbm>>
        %dma_wait3A_77 = tpu.memref_slice %arg4[%multiple_of3A] : memref<2000000xf32, #tpu.memory_space<hbm>> -> memref<3200xf32, #tpu.memory_space<hbm>>
        tpu.wait_dma2 semaphore(%arg21 : memref<!tpu.dma_semaphore, #tpu.memory_space<semaphore_mem>>) src(%dma_wait3A_77 : memref<3200xf32, #tpu.memory_space<hbm>>) dst(%arg17 : memref<3200xf32, #tpu.memory_space<vmem>>)
        %dma_wait3A_78 = tpu.memref_slice %arg5[%multiple_of3A] : memref<2000000xi32, #tpu.memory_space<hbm>> -> memref<3200xi32, #tpu.memory_space<hbm>>
        %dma_wait3A_79 = tpu.memref_slice %arg5[%multiple_of3A] : memref<2000000xi32, #tpu.memory_space<hbm>> -> memref<3200xi32, #tpu.memory_space<hbm>>
        tpu.wait_dma2 semaphore(%arg21 : memref<!tpu.dma_semaphore, #tpu.memory_space<semaphore_mem>>) src(%dma_wait3A_79 : memref<3200xi32, #tpu.memory_space<hbm>>) dst(%arg18 : memref<3200xi32, #tpu.memory_space<vmem>>)
        %broadcast_in_dim3A_80 = arith.constant 0.000000e+00 : f32
        %broadcast_in_dim3A_81 = vector.broadcast %broadcast_in_dim3A_80 : f32 to vector<16xf32>
        %parallel_loop3A = arith.constant 0 : i32
        %parallel_loop3A_82 = arith.constant 200 : i32
        %parallel_loop3A_83 = arith.constant 1 : i32
        %parallel_loop3A_84 = scf.for %parallel_loop3A_89 = %parallel_loop3A to %parallel_loop3A_82 step %parallel_loop3A_83 iter_args(%parallel_loop3A_90 = %broadcast_in_dim3A_81) -> (vector<16xf32>)  : i32 {
          %parallel_loop3A_91 = arith.constant 16 : i32
          %parallel_loop3A_92 = arith.muli %parallel_loop3A_89, %parallel_loop3A_91 : i32
          %parallel_loop3A_93 = arith.index_cast %parallel_loop3A_92 : i32 to index
          %parallel_loop3A_94 = tpu.vector_load %arg18[%parallel_loop3A_93] {strides = array<i32>} : memref<3200xi32, #tpu.memory_space<vmem>>, vector<16xi32>,
          %parallel_loop3A_95 = tpu.vector_load_idx %arg9[%parallel_loop3A_94] : memref<50048xi32, #tpu.memory_space<vmem>>[vector<16xi32>], vector<16xi32>,
          %parallel_loop3A_96 = tpu.vector_load_idx %arg10[%parallel_loop3A_94] : memref<50048xi32, #tpu.memory_space<vmem>>[vector<16xi32>], vector<16xi32>,
          %parallel_loop3A_97 = arith.constant -65536 : i32
          %parallel_loop3A_98 = vector.broadcast %parallel_loop3A_97 : i32 to vector<16xi32>
          %parallel_loop3A_99 = arith.andi %parallel_loop3A_95, %parallel_loop3A_98 : vector<16xi32>
          %parallel_loop3A_100 = tpu.bitcast %parallel_loop3A_99 : vector<16xi32> -> vector<16xf32>
          %parallel_loop3A_101 = arith.constant 16 : i32
          %parallel_loop3A_102 = vector.broadcast %parallel_loop3A_101 : i32 to vector<16xi32>
          %parallel_loop3A_103 = arith.shli %parallel_loop3A_95, %parallel_loop3A_102 : vector<16xi32>
          %parallel_loop3A_104 = tpu.bitcast %parallel_loop3A_103 : vector<16xi32> -> vector<16xf32>
          %parallel_loop3A_105 = arith.constant -65536 : i32
          %parallel_loop3A_106 = vector.broadcast %parallel_loop3A_105 : i32 to vector<16xi32>
          %parallel_loop3A_107 = arith.andi %parallel_loop3A_96, %parallel_loop3A_106 : vector<16xi32>
          %parallel_loop3A_108 = tpu.bitcast %parallel_loop3A_107 : vector<16xi32> -> vector<16xf32>
          %parallel_loop3A_109 = arith.constant 16 : i32
          %parallel_loop3A_110 = vector.broadcast %parallel_loop3A_109 : i32 to vector<16xi32>
          %parallel_loop3A_111 = arith.shli %parallel_loop3A_96, %parallel_loop3A_110 : vector<16xi32>
          %parallel_loop3A_112 = tpu.bitcast %parallel_loop3A_111 : vector<16xi32> -> vector<16xf32>
          %parallel_loop3A_113 = arith.index_cast %parallel_loop3A_92 : i32 to index
          %parallel_loop3A_114 = tpu.vector_load %arg16[%parallel_loop3A_113] {strides = array<i32>} : memref<3200xf32, #tpu.memory_space<vmem>>, vector<16xf32>,
          %parallel_loop3A_115 = arith.mulf %parallel_loop3A_108, %parallel_loop3A_114 : vector<16xf32>
          %parallel_loop3A_116 = arith.index_cast %parallel_loop3A_92 : i32 to index
          %parallel_loop3A_117 = tpu.vector_load %arg17[%parallel_loop3A_116] {strides = array<i32>} : memref<3200xf32, #tpu.memory_space<vmem>>, vector<16xf32>,
          %parallel_loop3A_118 = arith.mulf %parallel_loop3A_112, %parallel_loop3A_117 : vector<16xf32>
          %parallel_loop3A_119 = arith.addf %parallel_loop3A_115, %parallel_loop3A_118 : vector<16xf32>
          %parallel_loop3A_120 = arith.constant 0.000000e+00 : f32
          %parallel_loop3A_121 = vector.broadcast %parallel_loop3A_120 : f32 to vector<16xf32>
          %parallel_loop3A_122 = arith.subf %parallel_loop3A_121, %parallel_loop3A_119 : vector<16xf32>
          %parallel_loop3A_123 = math.exp %parallel_loop3A_122 : vector<16xf32>
          %parallel_loop3A_124 = arith.mulf %parallel_loop3A_104, %parallel_loop3A_123 : vector<16xf32>
          %parallel_loop3A_125 = arith.subf %parallel_loop3A_100, %parallel_loop3A_124 : vector<16xf32>
          %parallel_loop3A_126 = arith.index_cast %parallel_loop3A_92 : i32 to index
          %parallel_loop3A_127 = tpu.vector_load %arg15[%parallel_loop3A_126] {strides = array<i32>} : memref<3200xf32, #tpu.memory_space<vmem>>, vector<16xf32>,
          %parallel_loop3A_128 = arith.subf %parallel_loop3A_127, %parallel_loop3A_125 : vector<16xf32>
          %parallel_loop3A_129 = arith.mulf %parallel_loop3A_128, %parallel_loop3A_128 : vector<16xf32>
          %parallel_loop3A_130 = arith.addf %parallel_loop3A_90, %parallel_loop3A_129 : vector<16xf32>
          scf.yield %parallel_loop3A_130 : vector<16xf32>
        } {sc.loop_unroll_factor = 8 : i64, sc.parallel_access}
        %get3A = arith.constant 0 : index
        %get3A_85 = tpu.vector_load %arg19[%get3A] {strides = array<i32>} : memref<16xf32, #tpu.memory_space<vmem>>, vector<16xf32>,
        %add3A_86 = arith.addf %get3A_85, %parallel_loop3A_84 : vector<16xf32>
        %swap3A_87 = arith.constant 0 : index
        %swap3A_88 = tpu.vector_load %arg19[%swap3A_87] {strides = array<i32>} : memref<16xf32, #tpu.memory_space<vmem>>, vector<16xf32>,
        tpu.vector_store %arg19[%swap3A_87], %add3A_86 {strides = array<i32>} : memref<16xf32, #tpu.memory_space<vmem>>, vector<16xf32>,
      } else {
      }
    }
    %scan3A_25 = arith.constant 10 : i32
    "tpu.region"() ({
      %run_scoped3A = tpu.sem_alloc : memref<!tpu.dma_semaphore, #tpu.memory_space<semaphore_mem>>
      %dma_start3A_26 = arith.constant 0 : i32
      %dma_start3A_27 = tpu.memref_slice %arg8[%add3A, %dma_start3A_26] : memref<32x16xf32, #tpu.memory_space<hbm>> -> memref<1x16xf32, #tpu.memory_space<hbm>>
      %dma_start3A_28 = tpu.memref_squeeze %dma_start3A_27 : memref<1x16xf32, #tpu.memory_space<hbm>> -> memref<16xf32, #tpu.memory_space<hbm>>
      %dma_start3A_29 = arith.constant 0 : i32
      %dma_start3A_30 = tpu.memref_slice %arg8[%add3A, %dma_start3A_29] : memref<32x16xf32, #tpu.memory_space<hbm>> -> memref<1x16xf32, #tpu.memory_space<hbm>>
      %dma_start3A_31 = tpu.memref_squeeze %dma_start3A_30 : memref<1x16xf32, #tpu.memory_space<hbm>> -> memref<16xf32, #tpu.memory_space<hbm>>
      tpu.enqueue_dma source(%arg19 : memref<16xf32, #tpu.memory_space<vmem>>) target(%dma_start3A_31 : memref<16xf32, #tpu.memory_space<hbm>>) target_semaphore(%run_scoped3A : memref<!tpu.dma_semaphore, #tpu.memory_space<semaphore_mem>>)
      %dma_wait3A_32 = arith.constant 0 : i32
      %dma_wait3A_33 = tpu.memref_slice %arg8[%add3A, %dma_wait3A_32] : memref<32x16xf32, #tpu.memory_space<hbm>> -> memref<1x16xf32, #tpu.memory_space<hbm>>
      %dma_wait3A_34 = tpu.memref_squeeze %dma_wait3A_33 : memref<1x16xf32, #tpu.memory_space<hbm>> -> memref<16xf32, #tpu.memory_space<hbm>>
      %dma_wait3A_35 = arith.constant 0 : i32
      %dma_wait3A_36 = tpu.memref_slice %arg8[%add3A, %dma_wait3A_35] : memref<32x16xf32, #tpu.memory_space<hbm>> -> memref<1x16xf32, #tpu.memory_space<hbm>>
      %dma_wait3A_37 = tpu.memref_squeeze %dma_wait3A_36 : memref<1x16xf32, #tpu.memory_space<hbm>> -> memref<16xf32, #tpu.memory_space<hbm>>
      tpu.wait_dma2 semaphore(%run_scoped3A : memref<!tpu.dma_semaphore, #tpu.memory_space<semaphore_mem>>) src(%arg19 : memref<16xf32, #tpu.memory_space<vmem>>) dst(%dma_wait3A_37 : memref<16xf32, #tpu.memory_space<hbm>>)
      tpu.yield
    }) : () -> ()
    return
  }
}

module attributes {stable_mosaic.version = 14 : i64} {
  func.func @_finish_body(%arg0: memref<32x16xf32, #tpu.memory_space<vmem>>, %arg1: memref<1x1xf32, #tpu.memory_space<smem>>) attributes {dimension_semantics = [], scalar_prefetch = 0 : i64, scratch_operands = 0 : i64, tpu.core_type = #tpu.core_type<tc>} {
    %get3A = arith.constant 0 : index
    %get3A_0 = arith.constant 0 : index
    %get3A_1 = vector.load %arg0[%get3A, %get3A_0] : memref<32x16xf32, #tpu.memory_space<vmem>>, vector<32x16xf32>
    %reduce_sum3A = vector.shape_cast %get3A_1 : vector<32x16xf32> to vector<1x32x16xf32>
    %reduce_sum3A_2 = arith.constant dense<0.000000e+00> : vector<1xf32>
    %reduce_sum3A_3 = vector.multi_reduction <add>, %reduce_sum3A, %reduce_sum3A_2 [1, 2] : vector<1x32x16xf32> to vector<1xf32>
    %reduce_sum3A_4 = vector.shape_cast %reduce_sum3A_3 : vector<1xf32> to vector<1x1x1xf32>
    %reduce_sum3A_5 = vector.extract %reduce_sum3A_4[0, 0, 0] : f32 from vector<1x1x1xf32>
    %div3A = arith.constant 2.000000e+06 : f32
    %div3A_6 = arith.divf %reduce_sum3A_5, %div3A : f32
    %sqrt3A = math.sqrt %div3A_6 : f32
    %swap3A = arith.constant 0 : index
    %swap3A_7 = arith.constant 0 : index
    %swap3A_8 = memref.load %arg1[%swap3A, %swap3A_7] : memref<1x1xf32, #tpu.memory_space<smem>>
    memref.store %sqrt3A, %arg1[%swap3A, %swap3A_7] : memref<1x1xf32, #tpu.memory_space<smem>>
    return
  }
}

module attributes {stable_mosaic.version = 14 : i64} {
  func.func @_prep_body(%arg0: memref<50000xf32, #tpu.memory_space<vmem>>, %arg1: memref<50000xf32, #tpu.memory_space<vmem>>, %arg2: memref<50000xf32, #tpu.memory_space<vmem>>, %arg3: memref<50000xf32, #tpu.memory_space<vmem>>, %arg4: memref<50000xi32, #tpu.memory_space<vmem>>, %arg5: memref<50000xi32, #tpu.memory_space<vmem>>) attributes {dimension_semantics = [], scalar_prefetch = 0 : i64, scratch_operands = 0 : i64, tpu.core_type = #tpu.core_type<tc>} {
    %get3A = arith.constant 0 : index
    %get3A_0 = vector.load %arg0[%get3A] : memref<50000xf32, #tpu.memory_space<vmem>>, vector<50000xf32>
    %max3A = arith.constant 0.000000e+00 : f32
    %max3A_1 = vector.broadcast %max3A : f32 to vector<50000xf32>
    %max3A_2 = arith.maximumf %get3A_0, %max3A_1 : vector<50000xf32>
    %get3A_3 = arith.constant 0 : index
    %get3A_4 = vector.load %arg1[%get3A_3] : memref<50000xf32, #tpu.memory_space<vmem>>, vector<50000xf32>
    %max3A_5 = arith.constant 0.000000e+00 : f32
    %max3A_6 = vector.broadcast %max3A_5 : f32 to vector<50000xf32>
    %max3A_7 = arith.maximumf %get3A_4, %max3A_6 : vector<50000xf32>
    %get3A_8 = arith.constant 0 : index
    %get3A_9 = vector.load %arg2[%get3A_8] : memref<50000xf32, #tpu.memory_space<vmem>>, vector<50000xf32>
    %logistic3A = arith.negf %get3A_9 : vector<50000xf32>
    %logistic3A_10 = math.exp %logistic3A : vector<50000xf32>
    %logistic3A_11 = arith.constant 1.000000e+00 : f32
    %logistic3A_12 = vector.broadcast %logistic3A_11 : f32 to vector<50000xf32>
    %logistic3A_13 = arith.addf %logistic3A_12, %logistic3A_10 : vector<50000xf32>
    %logistic3A_14 = arith.divf %logistic3A_12, %logistic3A_13 : vector<50000xf32>
    %mul3A = arith.constant 2.000000e-01 : f32
    %mul3A_15 = vector.broadcast %mul3A : f32 to vector<50000xf32>
    %mul3A_16 = arith.mulf %mul3A_15, %logistic3A_14 : vector<50000xf32>
    %get3A_17 = arith.constant 0 : index
    %get3A_18 = vector.load %arg3[%get3A_17] : memref<50000xf32, #tpu.memory_space<vmem>>, vector<50000xf32>
    %logistic3A_19 = arith.negf %get3A_18 : vector<50000xf32>
    %logistic3A_20 = math.exp %logistic3A_19 : vector<50000xf32>
    %logistic3A_21 = arith.constant 1.000000e+00 : f32
    %logistic3A_22 = vector.broadcast %logistic3A_21 : f32 to vector<50000xf32>
    %logistic3A_23 = arith.addf %logistic3A_22, %logistic3A_20 : vector<50000xf32>
    %logistic3A_24 = arith.divf %logistic3A_22, %logistic3A_23 : vector<50000xf32>
    %mul3A_25 = arith.mulf %mul3A_16, %logistic3A_24 : vector<50000xf32>
    %bitcast_convert_type3A = tpu.bitcast %max3A_2 : vector<50000xf32> -> vector<50000xi32>
    %bitcast_convert_type3A_26 = tpu.bitcast %max3A_7 : vector<50000xf32> -> vector<50000xi32>
    %add3A = arith.constant 32768 : i32
    %add3A_27 = vector.broadcast %add3A : i32 to vector<50000xi32>
    %add3A_28 = arith.addi %bitcast_convert_type3A, %add3A_27 : vector<50000xi32>
    %and3A = arith.constant -65536 : i32
    %and3A_29 = vector.broadcast %and3A : i32 to vector<50000xi32>
    %and3A_30 = arith.andi %add3A_28, %and3A_29 : vector<50000xi32>
    %add3A_31 = arith.constant 32768 : i32
    %add3A_32 = vector.broadcast %add3A_31 : i32 to vector<50000xi32>
    %add3A_33 = arith.addi %bitcast_convert_type3A_26, %add3A_32 : vector<50000xi32>
    %shift_right_logical3A = arith.constant 16 : i32
    %shift_right_logical3A_34 = vector.broadcast %shift_right_logical3A : i32 to vector<50000xi32>
    %shift_right_logical3A_35 = arith.shrui %add3A_33, %shift_right_logical3A_34 : vector<50000xi32>
    %or3A = arith.ori %and3A_30, %shift_right_logical3A_35 : vector<50000xi32>
    %swap3A = arith.constant 0 : index
    %swap3A_36 = vector.load %arg4[%swap3A] : memref<50000xi32, #tpu.memory_space<vmem>>, vector<50000xi32>
    tpu.vector_store %arg4[%swap3A], %or3A {strides = array<i32>} : memref<50000xi32, #tpu.memory_space<vmem>>, vector<50000xi32>,
    %bitcast_convert_type3A_37 = tpu.bitcast %mul3A_16 : vector<50000xf32> -> vector<50000xi32>
    %bitcast_convert_type3A_38 = tpu.bitcast %mul3A_25 : vector<50000xf32> -> vector<50000xi32>
    %add3A_39 = arith.constant 32768 : i32
    %add3A_40 = vector.broadcast %add3A_39 : i32 to vector<50000xi32>
    %add3A_41 = arith.addi %bitcast_convert_type3A_37, %add3A_40 : vector<50000xi32>
    %and3A_42 = arith.constant -65536 : i32
    %and3A_43 = vector.broadcast %and3A_42 : i32 to vector<50000xi32>
    %and3A_44 = arith.andi %add3A_41, %and3A_43 : vector<50000xi32>
    %add3A_45 = arith.constant 32768 : i32
    %add3A_46 = vector.broadcast %add3A_45 : i32 to vector<50000xi32>
    %add3A_47 = arith.addi %bitcast_convert_type3A_38, %add3A_46 : vector<50000xi32>
    %shift_right_logical3A_48 = arith.constant 16 : i32
    %shift_right_logical3A_49 = vector.broadcast %shift_right_logical3A_48 : i32 to vector<50000xi32>
    %shift_right_logical3A_50 = arith.shrui %add3A_47, %shift_right_logical3A_49 : vector<50000xi32>
    %or3A_51 = arith.ori %and3A_44, %shift_right_logical3A_50 : vector<50000xi32>
    %swap3A_52 = arith.constant 0 : index
    %swap3A_53 = vector.load %arg5[%swap3A_52] : memref<50000xi32, #tpu.memory_space<vmem>>, vector<50000xi32>
    tpu.vector_store %arg5[%swap3A_52], %or3A_51 {strides = array<i32>} : memref<50000xi32, #tpu.memory_space<vmem>>, vector<50000xi32>,
    return
  }
}

</mosaic_0001>

<sc_bundles>
// kernel: kernel.5.cloned.1.call-start
scs
__scs_entry_jumppad:
0x0: {  	(pc) =	sbr.rel $0x88, $3  }
0x1: {  	(tag) =	ssettag $0x0;
	lr =	simm.s32 $0x1  }
0x2: {  	[smem:$0x3F99] =	sst lr;
	_ =	strace $0xD0000000  }
0x3: {  	_ = 	snop  }
0x4: {  	_ = 	snop  }
0x5: {  	_ = 	snop  }
0x6: {  	_ = 	snop  }
0x7: {  	_ = 	snop  }
__scs_overlays_trampoline_lowered:
0x8: {  	[smem:$0x3FA8] =	sst s0  }
0x9: {  	[smem:$0x3FA9] =	sst s1  }
0xa: {  	[smem:$0x3FAA] =	sst s2  }
0xb: {  	[smem:$0x3FAB] =	sst s3  }
0xc: {  	[smem:$0x3FAC] =	sst s4  }
0xd: {  	[smem:$0x3FAD] =	sst s5  }
0xe: {  	[smem:$0x3FAE] =	sst s6  }
0xf: {  	[smem:$0x3FAF] =	sst s7  }
0x10: {  	[smem:$0x3FB0] =	sst s8  }
0x11: {  	[smem:$0x3FB1] =	sst s9;
	s0 =	simm.s32 @!p0 $0x0  }
0x12: {  	s1 =	sld [smem:$0x3F97];
	s0 =	simm.s32 @p0 $0x1  }
0x13: {  	[smem:$0x3FB2] =	sst s0;
	s0 =	simm.s32 @!p1 $0x0  }
0x14: {  	s2 =	sld [smem:$0x3F96];
	s0 =	simm.s32 @p1 $0x1  }
0x15: {  	[smem:$0x3FB3] =	sst s0;
	s0 =	simm.s32 @!p2 $0x0  }
0x16: {  	s3 =	sld [smem:$0x3FDB];
	s0 =	simm.s32 @p2 $0x1  }
0x17: {  	s4 =	simm.s32 $0x1BF5;
	[smem:$0x3FB5] =	sst s0  }
0x18: {  	s0 =	sld [smem:$0x3F98];
	_ =	swait.ge [sflag:s4], $0x0  }
0x19: {  	s7 =	sld [smem:$0x3F99]  }
0x1a: {  	s8 =	sadd.s32 $0xFFFFE003, lr  }
0x1b: {  	s9 =	sadd.s32 $0xFFFFFEF7, lr;
	s5 =	simm.s32 $0xFFFFFFFF;
	p2 =	slt.u32 s8, $0xFFFFF086  }
0x1c: {  	p1 =	slt.u32 s9, $0xF7A;
	s5 =	simm.s32 @!p2 $0x0  }
0x1d: {  	s5 =	simm.s32 @p1 $0x1;
	p0 =	seq.s32 s7, s2  }
0x1e: {  	s7 =	smul.u32 @!p0 $0xF7A, s2;
	p2 =	seq.s32 @!p0 s5, $0x0  }
0x1f: {  	s9 =	smul.u32 $0xF7A, s1;
	s8 =	simm.s32 @!p0 $0x1BF5;
	p2 =	por !p2, p0  }
0x20: {  	[sflag:s8] =	ssyncset.s32 @!p0 $0xFFFFF086;
	s6 =	sadd.s32 @!p0 s3, s7;
	s7 =	simm.s32 @!p0 $0x108  }
0x21: {  	s3 =	sadd.s32 s3, s9;
	s6 =	sadd.s32 @!p0 $0x88, s6;
	s7 =	simm.s32 @p2 $0x1082  }
0x22: {  	[simem:s7], [sflag:s8] =	dma.local @!p0 [hbm:s6], $0xF7A  }
0x23: {  	s9 =	sor.u32 $0xD0000000, s2;
	s6 =	simm.s32 $0x108;
	_ =	swait.ge @!p0 [sflag:s8], $0x0  }
0x24: {  	s3 =	sadd.s32 $0x88, s3;
	s6 =	simm.s32 @!p1 $0x1082;
	[sflag:s4] =	ssyncset.s32 $0xFFFFF086  }
0x25: {  	[simem:s6], [sflag:s4] =	dma.local [hbm:s3], $0xF7A  }
0x26: {  	[smem:$0x3F99] =	sst s1;
	(tag) =	ssettag s2;
	_ =	strace s9  }
0x27: {  	s1 =	sld [smem:$0x3FA9]  }
0x28: {  	s2 =	sld [smem:$0x3FAA]  }
0x29: {  	s4 =	sld [smem:$0x3FAC]  }
0x2a: {  	p0 =	seq.s32 s5, $0x0;
	s5 =	sld [smem:$0x3FAD]  }
0x2b: {  	s6 =	sld [smem:$0x3FAE]  }
0x2c: {  	s7 =	sld [smem:$0x3FAF]  }
0x2d: {  	s3 =	simm.s32 $0x108;
	s8 =	sld [smem:$0x3FB0]  }
0x2e: {  	s3 =	simm.s32 @!p0 $0x1082;
	s9 =	sld [smem:$0x3FB1]  }
0x2f: {  	lr =	sadd.s32 s0, s3;
	s0 =	sld [smem:$0x3FA8]  }
0x30: {  	s3 =	sld [smem:$0x3FAB]  }
0x31: {  	[smem:$0x3FB4] =	sst s10  }
0x32: {  	s10 =	sld [smem:$0x3FB2];
	_ =	sdelay $0x3  }
0x33: {  	p0 =	seq.s32 s10, $0x1;
	s10 =	sld [smem:$0x3FB4];
	_ =	sdelay $0x3  }
0x34: {  	[smem:$0x3FB4] =	sst s10  }
0x35: {  	s10 =	sld [smem:$0x3FB3];
	_ =	sdelay $0x3  }
0x36: {  	p1 =	seq.s32 s10, $0x1;
	s10 =	sld [smem:$0x3FB4];
	_ =	sdelay $0x3  }
0x37: {  	[smem:$0x3FB4] =	sst s10  }
0x38: {  	s10 =	sld [smem:$0x3FB5]  }
0x39: {  	_ = 	snop;
	(pc) =	sbr.ind lr, $3  }
0x3a: {  	_ = 	snop  }
0x3b: {  	_ = 	snop  }
0x3c: {  	p2 =	seq.s32 s10, $0x1;
	s10 =	sld [smem:$0x3FB4]  }
0x3d: {  	_ =	shalt  }
0x3e: {  	_ =	shalt  }
0x3f: {  	_ =	shalt  }
0x40: {  	_ =	shalt  }
0x41: {  	_ =	shalt  }
0x42: {  	_ =	shalt  }
0x43: {  	_ =	shalt  }
0x44: {  	_ =	shalt  }
0x45: {  	_ =	shalt  }
0x46: {  	_ =	shalt  }
0x47: {  	_ =	shalt  }
0x48: {  	_ =	shalt  }
0x49: {  	_ =	shalt  }
0x4a: {  	_ =	shalt  }
0x4b: {  	_ =	shalt  }
0x4c: {  	_ =	shalt  }
0x4d: {  	_ =	shalt  }
0x4e: {  	_ =	shalt  }
0x4f: {  	_ =	shalt  }
0x50: {  	_ =	shalt  }
0x51: {  	_ =	shalt  }
0x52: {  	_ =	shalt  }
0x53: {  	_ =	shalt  }
0x54: {  	_ =	shalt  }
0x55: {  	_ =	shalt  }
0x56: {  	_ =	shalt  }
0x57: {  	_ =	shalt  }
0x58: {  	_ =	shalt  }
0x59: {  	_ =	shalt  }
0x5a: {  	_ =	shalt  }
0x5b: {  	_ =	shalt  }
0x5c: {  	_ =	shalt  }
0x5d: {  	_ =	shalt  }
0x5e: {  	_ =	shalt  }
0x5f: {  	_ =	shalt  }
0x60: {  	_ =	shalt  }
0x61: {  	_ =	shalt  }
0x62: {  	_ =	shalt  }
0x63: {  	_ =	shalt  }
0x64: {  	_ =	shalt  }
0x65: {  	_ =	shalt  }
0x66: {  	_ =	shalt  }
0x67: {  	_ =	shalt  }
0x68: {  	_ =	shalt  }
0x69: {  	_ =	shalt  }
0x6a: {  	_ =	shalt  }
0x6b: {  	_ =	shalt  }
0x6c: {  	_ =	shalt  }
0x6d: {  	_ =	shalt  }
0x6e: {  	_ =	shalt  }
0x6f: {  	_ =	shalt  }
0x70: {  	_ =	shalt  }
0x71: {  	_ =	shalt  }
0x72: {  	_ =	shalt  }
0x73: {  	_ =	shalt  }
0x74: {  	_ =	shalt  }
0x75: {  	_ =	shalt  }
0x76: {  	_ =	shalt  }
0x77: {  	_ =	shalt  }
0x78: {  	_ =	shalt  }
0x79: {  	_ =	shalt  }
0x7a: {  	_ =	shalt  }
0x7b: {  	_ =	shalt  }
0x7c: {  	_ =	shalt  }
0x7d: {  	_ =	shalt  }
0x7e: {  	_ =	shalt  }
0x7f: {  	_ =	shalt  }
0x80: {  	_ =	shalt  }
0x81: {  	_ =	shalt  }
0x82: {  	_ =	shalt  }
0x83: {  	_ =	shalt  }
0x84: {  	_ =	shalt  }
0x85: {  	_ =	shalt  }
0x86: {  	_ =	shalt  }
0x87: {  	_ =	shalt  }
.Lfunc_end0:
.L_simem_size_0:
called_computation_lowered:
.L_overlay_start_0:
0x88: {  	s2 =	sld [smem:$0x3FD9]  }
0x89: {  	s3 =	sld [smem:$0x3FFE];
	_ =	sdelay $0x1  }
0x8a: {  	s1 =	srdreg.scid  }
0x8b: {  	s0 =	sand.u32 $0x1, s1  }
0x8c: {  	s17 =	sshll.u32 s0, $0xA;
	s2 =	sadd.s32 s3, s2  }
0x8d: {  	s2 =	sadd.s32 s2, s17  }
0x8e: {  	[smem:$0x3FC0] =	sst s2  }
0x8f: {  	_ = 	snop  }
0x90: {  	s2 =	sld [smem:$0x3FC9]  }
0x91: {  	s18 =	sld [smem:$0x3FC8]  }
0x92: {  	s4 =	sld [smem:$0x3FC7]  }
0x93: {  	s5 =	sld [smem:$0x3FC6];
	(tm) =	ssettm $0x1  }
0x94: {  	s6 =	sld [smem:$0x3FFB];
	_ =	sdelay $0x3  }
0x95: {  	_ =	strace s6  }
0x96: {  	s6 =	sld [smem:$0x3FFC];
	_ =	sdelay $0x3  }
0x97: {  	_ =	strace s6  }
0x98: {  	s6 =	sld [smem:$0x3FFD];
	_ =	sdelay $0x3  }
0x99: {  	_ =	strace s6  }
0x9a: {  	_ =	strace $0x8FFFFFFF  }
0x9b: {  	s19 =	sld [smem:$0x3FDB];
	_ =	sdelay $0x1  }
0x9c: {  	s7 =	simm.s32 $_scs_section_size  }
0x9d: {  	s8 =	simm.s32 $_size__tile_overlayer_lowered;
	s9 =	simm.s32 $_tile_overlayer_lowered  }
0x9e: {  	s22 =	simm.s32 $0x1BFF;
	s21 =	sshll.u32 s9, $0x1;
	s6 =	sadd.s32 s7, s19  }
0x9f: {  	s10 =	simm.s32 $0x0;
	s20 =	sshll.u32 s8, $0x1;
	s8 =	sadd.s32 s21, s6  }
0xa0: {  	[timem:s10], [sflag:s22] =	dma.local [hbm:s8], s20  }
0xa1: {  	_ =	swait.ge [sflag:s22], s20  }
0xa2: {  	s7 =	ssub.s32 $0x0, s20;
	[sflag:s22] =	ssyncset.done $0x0  }
0xa3: {  	[sflag:s22] =	ssyncadd.s32 s7;
	_ =	sdelay $0x1  }
0xa4: {  	s23 =	simm.s32 $0x1B8B  }
0xa5: {  	_ =	swait.ge [sflag:s23], $0x1  }
0xa6: {  	[sflag:s23] =	ssyncset.done $0x0  }
0xa7: {  	s25 =	simm.s32 $0x1B8E;
	s24 =	sld [smem:$0x3FFE];
	[sflag:s23] =	ssyncadd.s32 $0xFFFFFFFF  }
0xa8: {  	s26 =	simm.s32 $execute0_lowered;
	[smem:$0x3FD2] =	sst s25  }
0xa9: {  	s8 =	sshll.u32 s26, $0x1;
	_ =	strace $0x80000046;
	[dreg:$0x1] =	wrdreg $0xFFFFFFFF  }
0xaa: {  	s28 =	simm.s32 $_size_execute0_lowered;
	s6 =	sadd.s32 s6, s8;
	[dreg:$0x0] =	wrdreg $0x0  }
0xab: {  	s8 =	sshll.u32 s28, $0x1;
	[dreg:$0x2] =	wrdreg s6  }
0xac: {  	[dreg:$0x3] =	wrdreg s8  }
0xad: {  	[dreg:$0x4] =	wrdreg $0xC0  }
0xae: {  	_ =	task [dreg:s10], $0x5FFFF  }
0xaf: {  	[dreg:$0x1] =	wrdreg $0xFFFFFFFF  }
0xb0: {  	[dreg:$0x0] =	wrdreg $0x60  }
0xb1: {  	[dreg:$0x2] =	wrdreg s2  }
0xb2: {  	[dreg:$0x3] =	wrdreg s18  }
0xb3: {  	[dreg:$0x4] =	wrdreg s4  }
0xb4: {  	[dreg:$0x5] =	wrdreg s5  }
0xb5: {  	[dreg:$0x6] =	wrdreg s24  }
0xb6: {  	[dreg:$0x7] =	wrdreg $0x9  }
0xb7: {  	_ =	task.clear_ibuf [dreg:s10], $0x8FFFF;
	_ =	strace $0x90000046  }
0xb8: {  	s29 =	simm.s32 $0x9;
	_ =	strace $0x80000048  }
0xb9: {  	_ =	swait.ge [sflag:s29], $0x1  }
0xba: {  	[sflag:s29] =	ssyncadd.s32 $0xFFFFFFFF  }
0xbb: {  	_ =	strace $0x90000048  }
0xbc: {  	_ =	sfence  }
0xbd: {  	s30 =	sld [smem:$0x0];
	_ =	sdelay $0x2  }
0xbe: {  	s31 =	sshll.u32 s1, $0xD;
	s1 =	sshrl.u32 s1, $0x2  }
0xbf: {  	s3 =	sand.u32 $0x4000, s31;
	s1 =	sadd.s32 s1, s30  }
0xc0: {  	s0 =	sor.u32 s3, s0;
	s1 =	sshll.u32 s1, $0x11  }
0xc1: {  	s0 =	sor.u32 s1, s0  }
0xc2: {  	s0 =	sadd.s32 $0x8F2B, s0  }
0xc3: {  	[sflag:s0] =	ssyncadd.remote.s32 $0x1  }
0xc4: {  	_ =	sfence.sel $0xFFFF  }
0xc5: {  	[dreg:$0x0] =	wrdreg $0xFFFFFFFF;
	(pc) =	sbr.abs _section_cstart, $3  }
0xc6: {  	[dreg:$0x1] =	wrdreg $0xFFFFFFFF  }
0xc7: {  	_ =	task.clear_ibuf [dreg:s10], $0x2FFFF;
	_ =	strace $0x9FFFFFFF  }
0xc8: {  	(tm) =	ssettm $0x7FFFFFFF  }
0xc9: {  	_ =	shalt  }
tec
execute0_lowered:
.L_overlay_start_1:
0x0: {  	(tag) =	ssettag $0x1  }
0x1: {  	s1 =	rddreg [dreg:$0x0]  }
0x2: {  	s2 =	rddreg [dreg:$0x1]  }
0x3: {  	s3 =	rddreg [dreg:$0x2]  }
0x4: {  	s4 =	rddreg [dreg:$0x3]  }
0x5: {  	s0 =	rddreg [dreg:$0x4];
	s6 =	simm.s32 $0x0  }
0x6: {  	s5 =	srdreg.scid;
	s7 =	stileid.u32;
	s17 =	simm.s32 $0xC380  }
0x7: {  	s20 =	simm.s32 $0x1A000;
	s21 =	simm.s32 $0x1AC80;
	s22 =	simm.s32 $0x3  }
0x8: {  	s23 =	simm.s32 $0x1;
	s24 =	simm.s32 $0x2;
	s25 =	simm.s32 $0x1EB00  }
0x9: {  	s26 =	simm.s32 $0x4;
	s5 =	sand.u32 $0x1, s5;
	s7 =	sshll.u32 s7, $0x1  }
0xa: {  	s28 =	simm.s32 $0x0;
	[smem:$0x7FF] =	sst s6;
	s16 =	sor.u32 s5, s7  }
0xb: {  	s8 =	sadd.s32 $0x2E00, s0;
	_ =	strace $0x80000047;
	s12 =	smul.u32 $0x190, s16  }
.Ltmp0:
0xc: {  	s7 =	sadd.s32 $0x1400, s0;
	s5 =	ssub.s32 $0x2, s5;
	(pc) =	sbr.rel .LBB2_1-.Ltmp0, $4  }
0xd: {  	s9 =	sshll.u32 s16, $0x4;
	s10 =	sshrl.u32 s5, $0x1;
	s13 =	sor.u32 $0x40, s16  }
0xe: {  	s16 =	sor.u32 $0x20, s16;
	s0 =	sadd.s32 s9, s0;
	s5 =	ssub.s32 s5, s10  }
0xf: {  	s9 =	sadd.s32 s1, s12;
	s10 =	sadd.s32 s2, s12;
	s11 =	sadd.s32 s3, s12  }
0x10: {  	v0 =	vimm.f32 $0.0e+00;
	s12 =	sadd.s32 s4, s12;
	s14 =	sadd.s32 $0x4800, s0;
	s15 =	smax.u32 s5, $0x1  }
.LBB2_9:
0x11: {  	s28 =	sadd.s32 $0x1, s28  }
0x12: {  	p0 =	sne.s32 s28, s15  }
.Ltmp1:
0x13: {  	_ = 	snop;
	(pc) =	sbr.rel @!p0 .LBB2_10-.Ltmp1, $4  }
0x14: {  	[hbm4b:s14+s6] =	stream.linear.scatter [tilespmem:s25], [sflag:$0x4], $0x80, $0x38;
	[tilespmem:$0x1EB80] =	vst v63  }
0x15: {  	_ =	swait.ge [sflag:s26], $0x80  }
0x16: {  	[sflag:s26] =	ssyncset.done $0x0  }
0x17: {  	[sflag:s26] =	ssyncadd.s32 $0xFFFFFF80  }
.LBB2_1:
0x18: {  	[tilespmem:s6], [sflag:$0x3] =	stream.linear.gather [hbm4b:s7+s6], $0xC350, $0x38;
	[tilespmem:$0x1EB80] =	vst v63  }
0x19: {  	_ = 	snop  }
0x1a: {  	[tilespmem:s17], [sflag:$0x3] =	stream.linear.gather [hbm4b:s8+s6], $0xC350, $0x38;
	[tilespmem:$0x1EB80] =	vst v63  }
0x1b: {  	s0 =	simm.s32 $0x18700;
	[tilespmem:$0x1EB00] =	vst v0  }
0x1c: {  	[tilespmem:s0], [sflag:$0x1] =	stream.linear.gather [hbm4b:s9+s6], $0xC80, $0x38;
	[tilespmem:$0x1EB80] =	vst v63  }
0x1d: {  	s31 =	simm.s32 $0x19380  }
0x1e: {  	[tilespmem:s31], [sflag:$0x1] =	stream.linear.gather [hbm4b:s10+s6], $0xC80, $0x38;
	[tilespmem:$0x1EB80] =	vst v63  }
0x1f: {  	_ = 	snop  }
0x20: {  	[tilespmem:s20], [sflag:$0x1] =	stream.linear.gather [hbm4b:s11+s6], $0xC80, $0x38;
	[tilespmem:$0x1EB80] =	vst v63  }
0x21: {  	_ = 	snop  }
0x22: {  	[tilespmem:s21], [sflag:$0x1] =	stream.linear.gather [hbm4b:s12+s6], $0xC80, $0x38;
	[tilespmem:$0x1EB80] =	vst v63  }
0x23: {  	_ =	swait.ge [sflag:s22], $0xC350  }
.Ltmp2:
0x24: {  	[sflag:s22] =	ssyncset.done $0x0;
	(pc) =	sbr.rel .LBB2_2-.Ltmp2, $4  }
0x25: {  	[sflag:s22] =	ssyncadd.s32 $0xFFFF3CB0  }
0x26: {  	_ =	swait.ge [sflag:s22], $0xC350  }
0x27: {  	[sflag:s22] =	ssyncset.done $0x0  }
0x28: {  	s29 =	simm.s32 $0x0;
	[sflag:s22] =	ssyncadd.s32 $0xFFFF3CB0  }
.LBB2_8:
0x29: {  	s29 =	sadd.s32 $0x1, s29  }
0x2a: {  	p0 =	sne.s32 s29, $0xA  }
.Ltmp3:
0x2b: {  	_ = 	snop;
	(pc) =	sbr.rel @!p0 .LBB2_9-.Ltmp3, $1  }
0x2c: {  	_ =	sdelay $0x3  }
.LBB2_2:
0x2d: {  	s30 =	sshll.u32 s29, $0x6  }
0x2e: {  	s0 =	sor.u32 s16, s30  }
0x2f: {  	p0 =	sgt.u32 s0, $0x270  }
0x30: {  	s0 =	smul.u32 @!p0 $0x190, s0;
	_ =	sdelay $0x1  }
0x31: {  	s18 =	simm.s32 @!p0 $0x0;
	s19 =	simm.s32 @!p0 $0x1B900;
	s5 =	sadd.s32 @!p0 s1, s0  }
0x32: {  	[tilespmem:s19], [sflag:$0x2] =	stream.linear.gather @!p0 [hbm4b:s5+s18], $0xC80, $0x38;
	[tilespmem:$0x1EB80] =	vst v63  }
0x33: {  	s5 =	sadd.s32 @!p0 s2, s0;
	s19 =	simm.s32 @!p0 $0x1C580  }
0x34: {  	[tilespmem:s19], [sflag:$0x2] =	stream.linear.gather @!p0 [hbm4b:s5+s18], $0xC80, $0x38;
	[tilespmem:$0x1EB80] =	vst v63  }
0x35: {  	s5 =	sadd.s32 @!p0 s3, s0;
	s19 =	simm.s32 @!p0 $0x1D200  }
0x36: {  	[tilespmem:s19], [sflag:$0x2] =	stream.linear.gather @!p0 [hbm4b:s5+s18], $0xC80, $0x38;
	[tilespmem:$0x1EB80] =	vst v63  }
0x37: {  	s0 =	sadd.s32 @!p0 s4, s0;
	s5 =	simm.s32 @!p0 $0x1DE80  }
0x38: {  	[tilespmem:s5], [sflag:$0x2] =	stream.linear.gather @!p0 [hbm4b:s0+s18], $0xC80, $0x38;
	[tilespmem:$0x1EB80] =	vst v63  }
0x39: {  	_ =	swait.ge [sflag:s23], $0xC80  }
0x3a: {  	[sflag:s23] =	ssyncset.done $0x0  }
0x3b: {  	[sflag:s23] =	ssyncadd.s32 $0xFFFFF380  }
0x3c: {  	_ =	swait.ge [sflag:s23], $0xC80  }
0x3d: {  	[sflag:s23] =	ssyncset.done $0x0  }
0x3e: {  	[sflag:s23] =	ssyncadd.s32 $0xFFFFF380  }
0x3f: {  	_ =	swait.ge [sflag:s23], $0xC80  }
0x40: {  	[sflag:s23] =	ssyncset.done $0x0  }
0x41: {  	[sflag:s23] =	ssyncadd.s32 $0xFFFFF380  }
0x42: {  	_ =	swait.ge [sflag:s23], $0xC80  }
0x43: {  	[sflag:s23] =	ssyncset.done $0x0  }
0x44: {  	s19 =	simm.s32 $0x193C0;
	[sflag:s23] =	ssyncadd.s32 $0xFFFFF380  }
0x45: {  	v2 =	vld [tilespmem:s19+$0x30]  }
0x46: {  	s31 =	simm.s32 $0x1A040;
	v4 =	vld [tilespmem:s19+$0x20]  }
0x47: {  	v5 =	vld [tilespmem:s31+$0x20]  }
0x48: {  	s0 =	simm.s32 $0x1ACC0;
	v6 =	vld [tilespmem:s19+$0xFFFFFFF0]  }
0x49: {  	v1 =	vld [tilespmem:s0+$0x30]  }
0x4a: {  	v7 =	vld [tilespmem:s0+$0x20]  }
0x4b: {  	v9 =	vld [tilespmem:s19+$0xFFFFFFC0]  }
0x4c: {  	v10 =	vld [tilespmem:s0+$0x10]  }
0x4d: {  	v11 =	vld [tilespmem:s0+$0x0]  }
0x4e: {  	v12 =	vld [tilespmem:s0+$0xFFFFFFF0]  }
0x4f: {  	v13 =	vld [tilespmem:s0+$0xFFFFFFE0]  }
0x50: {  	v14 =	vld [tilespmem:s0+$0xFFFFFFC0]  }
0x51: {  	v15 =	vld [tilespmem:s0+$0xFFFFFFD0]  }
0x52: {  	v24 =	vld [tilespmem:s31+$0xFFFFFFC0]  }
0x53: {  	v16 =	vld.idx.msk [tilespmem:v1+s17+$0x0], $0xffff  }
0x54: {  	v17 =	vld.idx.msk [tilespmem:v7+s17+$0x0], $0xffff  }
0x55: {  	v18 =	vld.idx.msk [tilespmem:v10+s17+$0x0], $0xffff  }
0x56: {  	v19 =	vld.idx.msk [tilespmem:v11+s17+$0x0], $0xffff  }
0x57: {  	v20 =	vld.idx.msk [tilespmem:v12+s17+$0x0], $0xffff  }
0x58: {  	v21 =	vld.idx.msk [tilespmem:v13+s17+$0x0], $0xffff  }
0x59: {  	v22 =	vld.idx.msk [tilespmem:v14+s17+$0x0], $0xffff  }
0x5a: {  	v25 =	vld [tilespmem:s19+$0xFFFFFFD0]  }
0x5b: {  	v23 =	vld.idx.msk [tilespmem:v15+s17+$0x0], $0xffff;
	v26 =	vand.u32 $0xFFFF0000, v17  }
0x5c: {  	v28 =	vld [tilespmem:s31+$0xFFFFFFD0];
	v17 =	vshll.u32 v17, $0x10;
	v27 =	vand.u32 $0xFFFF0000, v16;
	v29 =	vand.u32 $0xFFFF0000, v19  }
0x5d: {  	v32 =	vld [tilespmem:s19+$0xFFFFFFE0];
	v30 =	vand.u32 $0xFFFF0000, v18;
	v31 =	vand.u32 $0xFFFF0000, v21;
	v33 =	vand.u32 $0xFFFF0000, v20  }
0x5e: {  	v35 =	vld [tilespmem:s31+$0xFFFFFFE0];
	v34 =	vand.u32 $0xFFFF0000, v22;
	v22 =	vshll.u32 v22, $0x10;
	v27 =	vmul.f32 v27, v2  }
0x5f: {  	v20 =	vshll.u32 v20, $0x10;
	v2 =	vmul.f32 v34, v9;
	v9 =	vmul.f32 v22, v24;
	v22 =	vld [tilespmem:s31+$0xFFFFFFF0]  }
0x60: {  	v63 =	vld [tilespmem:s19+$0x0];
	v24 =	vand.u32 $0xFFFF0000, v23;
	v23 =	vshll.u32 v23, $0x10;
	v26 =	vmul.f32 v26, v4  }
0x61: {  	v23 =	vmul.f32 v23, v28;
	v4 =	vadd.f32 v9, v2;
	v9 =	vmul.f32 v24, v25;
	v24 =	vld [tilespmem:s31+$0x0]  }
0x62: {  	v8 =	vld [tilespmem:s19+$0x10];
	v17 =	vmul.f32 v17, v5;
	v5 =	vshll.u32 v21, $0x10;
	v21 =	vmul.f32 v31, v32  }
0x63: {  	v12 =	vld.idx.msk [tilespmem:v12+s6+$0x0], $0xffff;
	v5 =	vmul.f32 v5, v35;
	v25 =	vsub.f32 $0.0e+00, v4;
	v9 =	vadd.f32 v23, v9  }
0x64: {  	v19 =	vshll.u32 v19, $0x10;
	v6 =	vmul.f32 v33, v6;
	v23 =	vld [tilespmem:s31+$0x10];
	v20 =	vmul.f32 v20, v22  }
0x65: {  	v5 =	vadd.f32 v5, v21;
	v21 =	vld [tilespmem:s31+$0x30];
	v22 =	vmul.f32 $1.442695020e+00, v25;
	v9 =	vsub.f32 $0.0e+00, v9  }
0x66: {  	v25 =	vmul.f32 v29, v63;
	v20 =	vadd.f32 v20, v6;
	v19 =	vmul.f32 v19, v24;
	v6 =	vld.idx.msk [tilespmem:v7+s6+$0x0], $0xffff  }
0x67: {  	v18 =	vshll.u32 v18, $0x10;
	v8 =	vmul.f32 v30, v8;
	v5 =	vsub.f32 $0.0e+00, v5;
	v7 =	vld.idx.msk [tilespmem:v10+s6+$0x0], $0xffff  }
0x68: {  	v10 =	vld.idx.msk [tilespmem:v11+s6+$0x0], $0xffff;
	v9 =	vmul.f32 $1.442695020e+00, v9;
	(erf) = vpow2.f32 v22;
	v11 =	vadd.f32 v19, v25  }
0x69: {  	s5 =	simm.s32 $0x18740;
	v18 =	vmul.f32 v18, v23;
	v19 =	vsub.f32 $0.0e+00, v20;
	v20 =	vld.idx.msk [tilespmem:v14+s6+$0x0], $0xffff;
	v14 =	vmul.f32 $1.442695020e+00, v5  }
0x6a: {  	v2 =	vld [tilespmem:s5+$0x30];
	(erf) = vpow2.f32 v9;
	v9 =	vshll.u32 v16, $0x10;
	v11 =	vsub.f32 $0.0e+00, v11  }
0x6b: {  	v4 =	vld [tilespmem:s5+$0x20];
	v8 =	vadd.f32 v18, v8;
	v16 =	vmul.f32 $1.442695020e+00, v19;
	v19 =	vmul.f32 v9, v21  }
0x6c: {  	v5 =	vld [tilespmem:s5+$0x10];
	v18 =	vadd.f32 v17, v26;
	(erf) = vpow2.f32 v14;
	v11 =	vmul.f32 $1.442695020e+00, v11  }
0x6d: {  	v17 =	vld.idx.msk [tilespmem:v15+s6+$0x0], $0xffff;
	v14 =	vsub.f32 $0.0e+00, v8;
	(erf) = vpow2.f32 v16;
	v16 =	vadd.f32 v19, v27  }
0x6e: {  	v3 =	vimm.f32 $0.0e+00;
	v9 =	vld [tilespmem:s5+$0x0];
	v18 =	vsub.f32 $0.0e+00, v18  }
0x6f: {  	v15 =	vld.idx.msk [tilespmem:v13+s6+$0x0], $0xffff;
	v21 =	vmul.f32 $1.442695020e+00, v14;
	(erf) = vpow2.f32 v11;
	v25 =	vsub.f32 $0.0e+00, v16  }
0x70: {  	v13 =	vld [tilespmem:s5+$0xFFFFFFF0];
	v8 =	vand.u32 $0xFFFF0000, v6;
	v23 =	vshll.u32 v20, $0x10;
	v22 =	vand.u32 $0xFFFF0000, v20  }
0x71: {  	v19 =	vld [tilespmem:s5+$0xFFFFFFC0];
	v14 =	vand.u32 $0xFFFF0000, v10;
	v26 =	vmul.f32 $1.442695020e+00, v18;
	v16 =	vpop (erf);
	(erf) = vpow2.f32 v21  }
0x72: {  	v20 =	vld [tilespmem:s5+$0xFFFFFFD0];
	v11 =	vand.u32 $0xFFFF0000, v7;
	v18 =	vand.u32 $0xFFFF0000, v12;
	v23 =	vmul.f32 v23, v16  }
0x73: {  	s18 =	simm.s32 $0x0;
	s19 =	simm.s32 $0x19440;
	v24 =	vshll.u32 v17, $0x10;
	v21 =	vmul.f32 $1.442695020e+00, v25;
	v16 =	vld [tilespmem:s5+$0xFFFFFFE0];
	v25 =	vpop (erf);
	(erf) = vpow2.f32 v26  }
.LBB2_3:
0x74: {  	v26 =	vld [tilespmem:s19+$0x30];
	v22 =	vsub.f32 v22, v23;
	v28 =	vmul.f32 v24, v25;
	v24 =	vshll.u32 v12, $0x10  }
0x75: {  	v17 =	vand.u32 $0xFFFF0000, v17;
	v25 =	vshll.u32 v15, $0x10;
	s31 =	sadd.s32 $0x80, s31;
	v12 =	vld [tilespmem:s19+$0x20];
	v27 =	vpop (erf);
	(erf) = vpow2.f32 v21  }
0x76: {  	v21 =	vld [tilespmem:s31+$0x20];
	v19 =	vsub.f32 v19, v22;
	v17 =	vsub.f32 v17, v28;
	v22 =	vmul.f32 v25, v27;
	v23 =	vpop (erf)  }
0x77: {  	v15 =	vand.u32 $0xFFFF0000, v15;
	v10 =	vshll.u32 v10, $0x10;
	v23 =	vmul.f32 v24, v23;
	v24 =	vld.idx.msk [tilespmem:v1+s6+$0x0], $0xffff  }
0x78: {  	v25 =	vld [tilespmem:s19+$0x10];
	v19 =	vmul.f32 v19, v19;
	v17 =	vsub.f32 v20, v17;
	v15 =	vsub.f32 v15, v22;
	v1 =	vpop (erf)  }
0x79: {  	v7 =	vshll.u32 v7, $0x10;
	s0 =	sadd.s32 $0x80, s0;
	v20 =	vld [tilespmem:s19+$0xFFFFFFF0];
	v18 =	vsub.f32 v18, v23;
	v10 =	vmul.f32 v10, v1  }
0x7a: {  	v1 =	vld [tilespmem:s0+$0x30];
	v3 =	vadd.f32 v19, v3;
	v17 =	vmul.f32 v17, v17;
	v15 =	vsub.f32 v16, v15;
	v16 =	vpop (erf)  }
0x7b: {  	v6 =	vshll.u32 v6, $0x10;
	v19 =	vld [tilespmem:s0+$0x20];
	v22 =	vsub.f32 v14, v10;
	v7 =	vmul.f32 v7, v16  }
0x7c: {  	v13 =	vsub.f32 v13, v18;
	v14 =	vld [tilespmem:s19+$0xFFFFFFC0];
	v3 =	vadd.f32 v17, v3;
	v15 =	vmul.f32 v15, v15;
	v16 =	vpop (erf)  }
0x7d: {  	v17 =	vld [tilespmem:s0+$0x10];
	v7 =	vsub.f32 v11, v7;
	v6 =	vmul.f32 v6, v16;
	v11 =	vshll.u32 v24, $0x10  }
0x7e: {  	v13 =	vmul.f32 v13, v13;
	v9 =	vsub.f32 v9, v22;
	v16 =	vld [tilespmem:s0+$0x0];
	v3 =	vadd.f32 v15, v3;
	v10 =	vpop (erf)  }
0x7f: {  	v15 =	vld [tilespmem:s0+$0xFFFFFFF0];
	v6 =	vsub.f32 v8, v6;
	v8 =	vand.u32 $0xFFFF0000, v24;
	v10 =	vmul.f32 v11, v10  }
0x80: {  	v9 =	vmul.f32 v9, v9;
	v5 =	vsub.f32 v5, v7;
	v11 =	vld [tilespmem:s0+$0xFFFFFFE0];
	v3 =	vadd.f32 v13, v3  }
0x81: {  	s18 =	sadd.s32 $0x8, s18;
	v13 =	vld [tilespmem:s0+$0xFFFFFFC0];
	v7 =	vsub.f32 v8, v10  }
0x82: {  	p1 =	slt.u32 s18, $0xC0;
	v5 =	vmul.f32 v5, v5;
	v4 =	vsub.f32 v4, v6;
	v8 =	vld [tilespmem:s0+$0xFFFFFFD0];
	v3 =	vadd.f32 v9, v3  }
0x83: {  	v9 =	vld.idx.msk [tilespmem:v1+s17+$0x0], $0xffff  }
0x84: {  	v4 =	vmul.f32 v4, v4;
	v2 =	vsub.f32 v2, v7;
	v6 =	vld.idx.msk [tilespmem:v19+s17+$0x0], $0xffff;
	v3 =	vadd.f32 v5, v3  }
0x85: {  	v5 =	vld.idx.msk [tilespmem:v17+s17+$0x0], $0xffff  }
0x86: {  	v2 =	vmul.f32 v2, v2;
	v7 =	vld.idx.msk [tilespmem:v16+s17+$0x0], $0xffff;
	v3 =	vadd.f32 v4, v3  }
0x87: {  	v4 =	vld.idx.msk [tilespmem:v15+s17+$0x0], $0xffff  }
0x88: {  	v10 =	vld.idx.msk [tilespmem:v11+s17+$0x0], $0xffff;
	v3 =	vadd.f32 v2, v3  }
0x89: {  	v2 =	vld.idx.msk [tilespmem:v13+s17+$0x0], $0xffff  }
0x8a: {  	v18 =	vld.idx.msk [tilespmem:v8+s17+$0x0], $0xffff  }
0x8b: {  	v22 =	vld [tilespmem:s31+$0xFFFFFFC0]  }
0x8c: {  	v27 =	vand.u32 $0xFFFF0000, v9;
	v24 =	vand.u32 $0xFFFF0000, v6;
	v6 =	vshll.u32 v6, $0x10;
	v23 =	vld [tilespmem:s19+$0xFFFFFFD0]  }
0x8d: {  	v30 =	vand.u32 $0xFFFF0000, v5;
	v5 =	vshll.u32 v5, $0x10;
	v29 =	vand.u32 $0xFFFF0000, v7;
	v28 =	vld [tilespmem:s31+$0xFFFFFFD0]  }
0x8e: {  	v33 =	vand.u32 $0xFFFF0000, v4;
	v4 =	vshll.u32 v4, $0x10;
	v31 =	vand.u32 $0xFFFF0000, v10;
	v32 =	vld [tilespmem:s19+$0xFFFFFFE0]  }
0x8f: {  	v26 =	vmul.f32 v27, v26;
	v34 =	vand.u32 $0xFFFF0000, v2;
	v2 =	vshll.u32 v2, $0x10;
	v35 =	vld [tilespmem:s31+$0xFFFFFFE0]  }
0x90: {  	v14 =	vmul.f32 v34, v14;
	v2 =	vmul.f32 v2, v22;
	v22 =	vand.u32 $0xFFFF0000, v18;
	v27 =	vld [tilespmem:s31+$0xFFFFFFF0]  }
0x91: {  	v24 =	vmul.f32 v24, v12;
	v21 =	vmul.f32 v6, v21;
	v18 =	vshll.u32 v18, $0x10;
	v34 =	vld [tilespmem:s19+$0x0]  }
0x92: {  	s5 =	sadd.s32 $0x80, s5;
	v12 =	vmul.f32 v22, v23;
	v6 =	vadd.f32 v2, v14;
	v14 =	vmul.f32 v18, v28;
	v18 =	vld [tilespmem:s31+$0x0]  }
0x93: {  	v10 =	vshll.u32 v10, $0x10;
	v23 =	vmul.f32 v30, v25;
	v22 =	vmul.f32 v31, v32;
	v2 =	vld [tilespmem:s5+$0x30]  }
0x94: {  	v6 =	vsub.f32 $0.0e+00, v6;
	v12 =	vadd.f32 v14, v12;
	v10 =	vmul.f32 v10, v35;
	v14 =	vld [tilespmem:s31+$0x10]  }
0x95: {  	v7 =	vshll.u32 v7, $0x10;
	v20 =	vmul.f32 v33, v20;
	v25 =	vmul.f32 v4, v27;
	v4 =	vld [tilespmem:s5+$0x20]  }
0x96: {  	v27 =	vmul.f32 $1.442695020e+00, v6;
	v12 =	vsub.f32 $0.0e+00, v12;
	v10 =	vadd.f32 v10, v22;
	v22 =	vld [tilespmem:s31+$0x30]  }
0x97: {  	v20 =	vadd.f32 v25, v20;
	v25 =	vmul.f32 v29, v34;
	v18 =	vmul.f32 v7, v18;
	v6 =	vld.idx.msk [tilespmem:v19+s6+$0x0], $0xffff  }
0x98: {  	v12 =	vmul.f32 $1.442695020e+00, v12;
	v19 =	vsub.f32 $0.0e+00, v10;
	v7 =	vld.idx.msk [tilespmem:v17+s6+$0x0], $0xffff;
	(erf) = vpow2.f32 v27  }
0x99: {  	v17 =	vsub.f32 $0.0e+00, v20;
	v10 =	vld.idx.msk [tilespmem:v16+s6+$0x0], $0xffff;
	v16 =	vadd.f32 v18, v25;
	v5 =	vmul.f32 v5, v14  }
0x9a: {  	v9 =	vshll.u32 v9, $0x10;
	v18 =	vld.idx.msk [tilespmem:v13+s6+$0x0], $0xffff;
	v13 =	vmul.f32 $1.442695020e+00, v19;
	(erf) = vpow2.f32 v12  }
0x9b: {  	v14 =	vmul.f32 $1.442695020e+00, v17;
	v16 =	vsub.f32 $0.0e+00, v16;
	v19 =	vadd.f32 v5, v23;
	v5 =	vld [tilespmem:s5+$0x10]  }
0x9c: {  	v20 =	vadd.f32 v21, v24;
	v12 =	vld.idx.msk [tilespmem:v15+s6+$0x0], $0xffff;
	v15 =	vmul.f32 v9, v22;
	(erf) = vpow2.f32 v13  }
0x9d: {  	v17 =	vld.idx.msk [tilespmem:v8+s6+$0x0], $0xffff;
	v13 =	vmul.f32 $1.442695020e+00, v16;
	v16 =	vsub.f32 $0.0e+00, v19;
	(erf) = vpow2.f32 v14  }
0x9e: {  	v8 =	vand.u32 $0xFFFF0000, v6;
	v9 =	vld [tilespmem:s5+$0x0];
	v21 =	vadd.f32 v15, v26  }
.Ltmp4:
0x9f: {  	v22 =	vsub.f32 $0.0e+00, v20;
	v15 =	vld.idx.msk [tilespmem:v11+s6+$0x0], $0xffff;
	v16 =	vmul.f32 $1.442695020e+00, v16;
	(erf) = vpow2.f32 v13;
	(pc) =	sbr.rel @p1 .LBB2_3-.Ltmp4, $4  }
0xa0: {  	v14 =	vand.u32 $0xFFFF0000, v10;
	v23 =	vshll.u32 v18, $0x10;
	v11 =	vand.u32 $0xFFFF0000, v7;
	v13 =	vld [tilespmem:s5+$0xFFFFFFF0]  }
0xa1: {  	v26 =	vmul.f32 $1.442695020e+00, v22;
	v21 =	vsub.f32 $0.0e+00, v21;
	v19 =	vld [tilespmem:s5+$0xFFFFFFC0];
	v20 =	vpop (erf);
	(erf) = vpow2.f32 v16  }
0xa2: {  	v22 =	vand.u32 $0xFFFF0000, v18;
	v18 =	vand.u32 $0xFFFF0000, v12;
	v23 =	vmul.f32 v23, v20;
	v16 =	vld [tilespmem:s5+$0xFFFFFFE0]  }
0xa3: {  	s19 =	sadd.s32 $0x80, s19;
	v24 =	vshll.u32 v17, $0x10;
	v21 =	vmul.f32 $1.442695020e+00, v21;
	v20 =	vld [tilespmem:s5+$0xFFFFFFD0];
	v25 =	vpop (erf);
	(erf) = vpow2.f32 v26  }
0xa4: {  	v22 =	vsub.f32 v22, v23;
	v51 =	vmul.f32 v24, v25;
	v12 =	vshll.u32 v12, $0x10  }
0xa5: {  	v17 =	vand.u32 $0xFFFF0000, v17;
	v52 =	vshll.u32 v15, $0x10;
	v53 =	vpop (erf);
	(erf) = vpow2.f32 v21  }
0xa6: {  	v19 =	vsub.f32 v19, v22;
	v17 =	vsub.f32 v17, v51;
	v54 =	vmul.f32 v52, v53;
	v55 =	vpop (erf)  }
0xa7: {  	v56 =	vand.u32 $0xFFFF0000, v15;
	v10 =	vshll.u32 v10, $0x10;
	v12 =	vmul.f32 v12, v55  }
0xa8: {  	v1 =	vld.idx.msk [tilespmem:v1+s6+$0x0], $0xffff;
	v19 =	vmul.f32 v19, v19;
	v17 =	vsub.f32 v20, v17;
	v15 =	vsub.f32 v56, v54;
	v57 =	vpop (erf)  }
0xa9: {  	v7 =	vshll.u32 v7, $0x10;
	v12 =	vsub.f32 v18, v12;
	v10 =	vmul.f32 v10, v57  }
0xaa: {  	v3 =	vadd.f32 v19, v3;
	v17 =	vmul.f32 v17, v17;
	v15 =	vsub.f32 v16, v15;
	v58 =	vpop (erf)  }
0xab: {  	v6 =	vshll.u32 v6, $0x10;
	v10 =	vsub.f32 v14, v10;
	v7 =	vmul.f32 v7, v58  }
0xac: {  	v12 =	vsub.f32 v13, v12;
	v3 =	vadd.f32 v17, v3;
	v59 =	vmul.f32 v15, v15;
	v60 =	vpop (erf)  }
0xad: {  	v61 =	vshll.u32 v1, $0x10;
	v7 =	vsub.f32 v11, v7;
	v6 =	vmul.f32 v6, v60  }
0xae: {  	v12 =	vmul.f32 v12, v12;
	v9 =	vsub.f32 v9, v10;
	v3 =	vadd.f32 v59, v3;
	v62 =	vpop (erf)  }
0xaf: {  	v1 =	vand.u32 $0xFFFF0000, v1;
	v6 =	vsub.f32 v8, v6;
	v63 =	vmul.f32 v61, v62  }
0xb0: {  	v9 =	vmul.f32 v9, v9;
	v5 =	vsub.f32 v5, v7;
	v3 =	vadd.f32 v12, v3  }
0xb1: {  	v1 =	vsub.f32 v1, v63  }
0xb2: {  	v5 =	vmul.f32 v5, v5;
	v4 =	vsub.f32 v4, v6;
	v3 =	vadd.f32 v9, v3;
	_ =	sdelay $0x1  }
0xb3: {  	v4 =	vmul.f32 v4, v4;
	v1 =	vsub.f32 v2, v1;
	v3 =	vadd.f32 v5, v3  }
0xb4: {  	v2 =	vld [tilespmem:$0x1EB00]  }
0xb5: {  	v1 =	vmul.f32 v1, v1;
	v3 =	vadd.f32 v4, v3;
	_ =	sdelay $0x1  }
0xb6: {  	s0 =	sadd.s32 s13, s30;
	v1 =	vadd.f32 v1, v3  }
0xb7: {  	p1 =	sgt.u32 s0, $0x270  }
0xb8: {  	s0 =	smul.u32 @!p1 $0x190, s0;
	v1 =	vadd.f32 v2, v1;
	_ =	sdelay $0x1  }
0xb9: {  	s18 =	simm.s32 @!p1 $0x0;
	s19 =	simm.s32 @!p1 $0x18700;
	s5 =	sadd.s32 @!p1 s1, s0;
	[tilespmem:$0x1EB00] =	vst v1  }
0xba: {  	[tilespmem:s19], [sflag:$0x1] =	stream.linear.gather @!p1 [hbm4b:s5+s18], $0xC80, $0x38;
	[tilespmem:$0x1EB80] =	vst v63  }
0xbb: {  	s5 =	sadd.s32 @!p1 s2, s0;
	s19 =	simm.s32 @!p1 $0x19380  }
0xbc: {  	[tilespmem:s19], [sflag:$0x1] =	stream.linear.gather @!p1 [hbm4b:s5+s18], $0xC80, $0x38;
	[tilespmem:$0x1EB80] =	vst v63  }
.Ltmp5:
0xbd: {  	_ = 	snop;
	(pc) =	sbr.rel @p0 .LBB2_8-.Ltmp5, $4  }
0xbe: {  	s5 =	sadd.s32 @!p1 s3, s0;
	s19 =	simm.s32 @!p1 $0x1A000  }
0xbf: {  	[tilespmem:s19], [sflag:$0x1] =	stream.linear.gather @!p1 [hbm4b:s5+s18], $0xC80, $0x38;
	[tilespmem:$0x1EB80] =	vst v63  }
0xc0: {  	s0 =	sadd.s32 @!p1 s4, s0;
	s5 =	simm.s32 @!p1 $0x1AC80  }
0xc1: {  	[tilespmem:s5], [sflag:$0x1] =	stream.linear.gather @!p1 [hbm4b:s0+s18], $0xC80, $0x38;
	[tilespmem:$0x1EB80] =	vst v63  }
0xc2: {  	_ =	swait.ge [sflag:s24], $0xC80  }
0xc3: {  	[sflag:s24] =	ssyncset.done $0x0  }
0xc4: {  	[sflag:s24] =	ssyncadd.s32 $0xFFFFF380  }
0xc5: {  	_ =	swait.ge [sflag:s24], $0xC80  }
0xc6: {  	[sflag:s24] =	ssyncset.done $0x0  }
0xc7: {  	[sflag:s24] =	ssyncadd.s32 $0xFFFFF380  }
0xc8: {  	_ =	swait.ge [sflag:s24], $0xC80  }
0xc9: {  	[sflag:s24] =	ssyncset.done $0x0  }
0xca: {  	[sflag:s24] =	ssyncadd.s32 $0xFFFFF380  }
0xcb: {  	_ =	swait.ge [sflag:s24], $0xC80  }
0xcc: {  	[sflag:s24] =	ssyncset.done $0x0  }
0xcd: {  	s5 =	simm.s32 $0x1C5C0;
	[sflag:s24] =	ssyncadd.s32 $0xFFFFF380  }
0xce: {  	v2 =	vld [tilespmem:s5+$0x30]  }
0xcf: {  	s30 =	simm.s32 $0x1D240;
	v4 =	vld [tilespmem:s5+$0x20]  }
0xd0: {  	v5 =	vld [tilespmem:s30+$0x20]  }
0xd1: {  	s0 =	simm.s32 $0x1DEC0;
	v6 =	vld [tilespmem:s5+$0xFFFFFFF0]  }
0xd2: {  	v1 =	vld [tilespmem:s0+$0x30]  }
0xd3: {  	v7 =	vld [tilespmem:s0+$0x20]  }
0xd4: {  	v9 =	vld [tilespmem:s5+$0xFFFFFFC0]  }
0xd5: {  	v10 =	vld [tilespmem:s0+$0x10]  }
0xd6: {  	v11 =	vld [tilespmem:s0+$0x0]  }
0xd7: {  	v12 =	vld [tilespmem:s0+$0xFFFFFFF0]  }
0xd8: {  	v13 =	vld [tilespmem:s0+$0xFFFFFFE0]  }
0xd9: {  	v14 =	vld [tilespmem:s0+$0xFFFFFFC0]  }
0xda: {  	v15 =	vld [tilespmem:s0+$0xFFFFFFD0]  }
0xdb: {  	v24 =	vld [tilespmem:s30+$0xFFFFFFC0]  }
0xdc: {  	v16 =	vld.idx.msk [tilespmem:v1+s17+$0x0], $0xffff  }
0xdd: {  	v17 =	vld.idx.msk [tilespmem:v7+s17+$0x0], $0xffff  }
0xde: {  	v18 =	vld.idx.msk [tilespmem:v10+s17+$0x0], $0xffff  }
0xdf: {  	v19 =	vld.idx.msk [tilespmem:v11+s17+$0x0], $0xffff  }
0xe0: {  	v20 =	vld.idx.msk [tilespmem:v12+s17+$0x0], $0xffff  }
0xe1: {  	v21 =	vld.idx.msk [tilespmem:v13+s17+$0x0], $0xffff  }
0xe2: {  	v22 =	vld.idx.msk [tilespmem:v14+s17+$0x0], $0xffff  }
0xe3: {  	v25 =	vld [tilespmem:s5+$0xFFFFFFD0]  }
0xe4: {  	v23 =	vld.idx.msk [tilespmem:v15+s17+$0x0], $0xffff;
	v26 =	vand.u32 $0xFFFF0000, v17  }
0xe5: {  	v28 =	vld [tilespmem:s30+$0xFFFFFFD0];
	v17 =	vshll.u32 v17, $0x10;
	v27 =	vand.u32 $0xFFFF0000, v16;
	v29 =	vand.u32 $0xFFFF0000, v19  }
0xe6: {  	v32 =	vld [tilespmem:s5+$0xFFFFFFE0];
	v30 =	vand.u32 $0xFFFF0000, v18;
	v31 =	vand.u32 $0xFFFF0000, v21;
	v33 =	vand.u32 $0xFFFF0000, v20  }
0xe7: {  	v35 =	vld [tilespmem:s30+$0xFFFFFFE0];
	v34 =	vand.u32 $0xFFFF0000, v22;
	v22 =	vshll.u32 v22, $0x10;
	v27 =	vmul.f32 v27, v2  }
0xe8: {  	v20 =	vshll.u32 v20, $0x10;
	v2 =	vmul.f32 v34, v9;
	v9 =	vmul.f32 v22, v24;
	v22 =	vld [tilespmem:s30+$0xFFFFFFF0]  }
0xe9: {  	v63 =	vld [tilespmem:s5+$0x0];
	v24 =	vand.u32 $0xFFFF0000, v23;
	v23 =	vshll.u32 v23, $0x10;
	v26 =	vmul.f32 v26, v4  }
0xea: {  	v23 =	vmul.f32 v23, v28;
	v4 =	vadd.f32 v9, v2;
	v9 =	vmul.f32 v24, v25;
	v24 =	vld [tilespmem:s30+$0x0]  }
0xeb: {  	v8 =	vld [tilespmem:s5+$0x10];
	v17 =	vmul.f32 v17, v5;
	v5 =	vshll.u32 v21, $0x10;
	v21 =	vmul.f32 v31, v32  }
0xec: {  	v12 =	vld.idx.msk [tilespmem:v12+s6+$0x0], $0xffff;
	v5 =	vmul.f32 v5, v35;
	v25 =	vsub.f32 $0.0e+00, v4;
	v9 =	vadd.f32 v23, v9  }
0xed: {  	v19 =	vshll.u32 v19, $0x10;
	v6 =	vmul.f32 v33, v6;
	v23 =	vld [tilespmem:s30+$0x10];
	v20 =	vmul.f32 v20, v22  }
0xee: {  	v5 =	vadd.f32 v5, v21;
	v21 =	vld [tilespmem:s30+$0x30];
	v22 =	vmul.f32 $1.442695020e+00, v25;
	v9 =	vsub.f32 $0.0e+00, v9  }
0xef: {  	v25 =	vmul.f32 v29, v63;
	v20 =	vadd.f32 v20, v6;
	v19 =	vmul.f32 v19, v24;
	v6 =	vld.idx.msk [tilespmem:v7+s6+$0x0], $0xffff  }
0xf0: {  	v18 =	vshll.u32 v18, $0x10;
	v8 =	vmul.f32 v30, v8;
	v5 =	vsub.f32 $0.0e+00, v5;
	v7 =	vld.idx.msk [tilespmem:v10+s6+$0x0], $0xffff  }
0xf1: {  	v10 =	vld.idx.msk [tilespmem:v11+s6+$0x0], $0xffff;
	v9 =	vmul.f32 $1.442695020e+00, v9;
	(erf) = vpow2.f32 v22;
	v11 =	vadd.f32 v19, v25  }
0xf2: {  	s5 =	simm.s32 $0x1B940;
	v18 =	vmul.f32 v18, v23;
	v19 =	vsub.f32 $0.0e+00, v20;
	v20 =	vld.idx.msk [tilespmem:v14+s6+$0x0], $0xffff;
	v14 =	vmul.f32 $1.442695020e+00, v5  }
0xf3: {  	v2 =	vld [tilespmem:s5+$0x30];
	(erf) = vpow2.f32 v9;
	v9 =	vshll.u32 v16, $0x10;
	v11 =	vsub.f32 $0.0e+00, v11  }
0xf4: {  	v4 =	vld [tilespmem:s5+$0x20];
	v8 =	vadd.f32 v18, v8;
	v16 =	vmul.f32 $1.442695020e+00, v19;
	v19 =	vmul.f32 v9, v21  }
0xf5: {  	v5 =	vld [tilespmem:s5+$0x10];
	v18 =	vadd.f32 v17, v26;
	(erf) = vpow2.f32 v14;
	v11 =	vmul.f32 $1.442695020e+00, v11  }
0xf6: {  	v17 =	vld.idx.msk [tilespmem:v15+s6+$0x0], $0xffff;
	v14 =	vsub.f32 $0.0e+00, v8;
	(erf) = vpow2.f32 v16;
	v16 =	vadd.f32 v19, v27  }
0xf7: {  	v3 =	vimm.f32 $0.0e+00;
	v9 =	vld [tilespmem:s5+$0x0];
	v18 =	vsub.f32 $0.0e+00, v18  }
0xf8: {  	v15 =	vld.idx.msk [tilespmem:v13+s6+$0x0], $0xffff;
	v21 =	vmul.f32 $1.442695020e+00, v14;
	(erf) = vpow2.f32 v11;
	v25 =	vsub.f32 $0.0e+00, v16  }
0xf9: {  	v13 =	vld [tilespmem:s5+$0xFFFFFFF0];
	v8 =	vand.u32 $0xFFFF0000, v6;
	v23 =	vshll.u32 v20, $0x10;
	v22 =	vand.u32 $0xFFFF0000, v20  }
0xfa: {  	v19 =	vld [tilespmem:s5+$0xFFFFFFC0];
	v14 =	vand.u32 $0xFFFF0000, v10;
	v26 =	vmul.f32 $1.442695020e+00, v18;
	v16 =	vpop (erf);
	(erf) = vpow2.f32 v21  }
0xfb: {  	v20 =	vld [tilespmem:s5+$0xFFFFFFD0];
	v11 =	vand.u32 $0xFFFF0000, v7;
	v18 =	vand.u32 $0xFFFF0000, v12;
	v23 =	vmul.f32 v23, v16  }
0xfc: {  	s18 =	simm.s32 $0x0;
	s19 =	simm.s32 $0x1C640;
	v24 =	vshll.u32 v17, $0x10;
	v21 =	vmul.f32 $1.442695020e+00, v25;
	v16 =	vld [tilespmem:s5+$0xFFFFFFE0];
	v25 =	vpop (erf);
	(erf) = vpow2.f32 v26  }
.LBB2_6:
0xfd: {  	v26 =	vld [tilespmem:s19+$0x30];
	v22 =	vsub.f32 v22, v23;
	v28 =	vmul.f32 v24, v25;
	v24 =	vshll.u32 v12, $0x10  }
0xfe: {  	v17 =	vand.u32 $0xFFFF0000, v17;
	v25 =	vshll.u32 v15, $0x10;
	s30 =	sadd.s32 $0x80, s30;
	v12 =	vld [tilespmem:s19+$0x20];
	v27 =	vpop (erf);
	(erf) = vpow2.f32 v21  }
0xff: {  	v21 =	vld [tilespmem:s30+$0x20];
	v19 =	vsub.f32 v19, v22;
	v17 =	vsub.f32 v17, v28;
	v22 =	vmul.f32 v25, v27;
	v23 =	vpop (erf)  }
0x100: {  	v15 =	vand.u32 $0xFFFF0000, v15;
	v10 =	vshll.u32 v10, $0x10;
	v23 =	vmul.f32 v24, v23;
	v24 =	vld.idx.msk [tilespmem:v1+s6+$0x0], $0xffff  }
0x101: {  	v25 =	vld [tilespmem:s19+$0x10];
	v19 =	vmul.f32 v19, v19;
	v17 =	vsub.f32 v20, v17;
	v15 =	vsub.f32 v15, v22;
	v1 =	vpop (erf)  }
0x102: {  	v7 =	vshll.u32 v7, $0x10;
	s0 =	sadd.s32 $0x80, s0;
	v20 =	vld [tilespmem:s19+$0xFFFFFFF0];
	v18 =	vsub.f32 v18, v23;
	v10 =	vmul.f32 v10, v1  }
0x103: {  	v1 =	vld [tilespmem:s0+$0x30];
	v3 =	vadd.f32 v19, v3;
	v17 =	vmul.f32 v17, v17;
	v15 =	vsub.f32 v16, v15;
	v16 =	vpop (erf)  }
0x104: {  	v6 =	vshll.u32 v6, $0x10;
	v19 =	vld [tilespmem:s0+$0x20];
	v22 =	vsub.f32 v14, v10;
	v7 =	vmul.f32 v7, v16  }
0x105: {  	v13 =	vsub.f32 v13, v18;
	v14 =	vld [tilespmem:s19+$0xFFFFFFC0];
	v3 =	vadd.f32 v17, v3;
	v15 =	vmul.f32 v15, v15;
	v16 =	vpop (erf)  }
0x106: {  	v17 =	vld [tilespmem:s0+$0x10];
	v7 =	vsub.f32 v11, v7;
	v6 =	vmul.f32 v6, v16;
	v11 =	vshll.u32 v24, $0x10  }
0x107: {  	v13 =	vmul.f32 v13, v13;
	v9 =	vsub.f32 v9, v22;
	v16 =	vld [tilespmem:s0+$0x0];
	v3 =	vadd.f32 v15, v3;
	v10 =	vpop (erf)  }
0x108: {  	v15 =	vld [tilespmem:s0+$0xFFFFFFF0];
	v6 =	vsub.f32 v8, v6;
	v8 =	vand.u32 $0xFFFF0000, v24;
	v10 =	vmul.f32 v11, v10  }
0x109: {  	v9 =	vmul.f32 v9, v9;
	v5 =	vsub.f32 v5, v7;
	v11 =	vld [tilespmem:s0+$0xFFFFFFE0];
	v3 =	vadd.f32 v13, v3  }
0x10a: {  	s18 =	sadd.s32 $0x8, s18;
	v13 =	vld [tilespmem:s0+$0xFFFFFFC0];
	v7 =	vsub.f32 v8, v10  }
0x10b: {  	p0 =	slt.u32 s18, $0xC0;
	v5 =	vmul.f32 v5, v5;
	v4 =	vsub.f32 v4, v6;
	v8 =	vld [tilespmem:s0+$0xFFFFFFD0];
	v3 =	vadd.f32 v9, v3  }
0x10c: {  	v9 =	vld.idx.msk [tilespmem:v1+s17+$0x0], $0xffff  }
0x10d: {  	v4 =	vmul.f32 v4, v4;
	v2 =	vsub.f32 v2, v7;
	v6 =	vld.idx.msk [tilespmem:v19+s17+$0x0], $0xffff;
	v3 =	vadd.f32 v5, v3  }
0x10e: {  	v5 =	vld.idx.msk [tilespmem:v17+s17+$0x0], $0xffff  }
0x10f: {  	v2 =	vmul.f32 v2, v2;
	v7 =	vld.idx.msk [tilespmem:v16+s17+$0x0], $0xffff;
	v3 =	vadd.f32 v4, v3  }
0x110: {  	v4 =	vld.idx.msk [tilespmem:v15+s17+$0x0], $0xffff  }
0x111: {  	v10 =	vld.idx.msk [tilespmem:v11+s17+$0x0], $0xffff;
	v3 =	vadd.f32 v2, v3  }
0x112: {  	v2 =	vld.idx.msk [tilespmem:v13+s17+$0x0], $0xffff  }
0x113: {  	v18 =	vld.idx.msk [tilespmem:v8+s17+$0x0], $0xffff  }
0x114: {  	v22 =	vld [tilespmem:s30+$0xFFFFFFC0]  }
0x115: {  	v27 =	vand.u32 $0xFFFF0000, v9;
	v24 =	vand.u32 $0xFFFF0000, v6;
	v6 =	vshll.u32 v6, $0x10;
	v23 =	vld [tilespmem:s19+$0xFFFFFFD0]  }
0x116: {  	v30 =	vand.u32 $0xFFFF0000, v5;
	v5 =	vshll.u32 v5, $0x10;
	v29 =	vand.u32 $0xFFFF0000, v7;
	v28 =	vld [tilespmem:s30+$0xFFFFFFD0]  }
0x117: {  	v33 =	vand.u32 $0xFFFF0000, v4;
	v4 =	vshll.u32 v4, $0x10;
	v31 =	vand.u32 $0xFFFF0000, v10;
	v32 =	vld [tilespmem:s19+$0xFFFFFFE0]  }
0x118: {  	v26 =	vmul.f32 v27, v26;
	v34 =	vand.u32 $0xFFFF0000, v2;
	v2 =	vshll.u32 v2, $0x10;
	v35 =	vld [tilespmem:s30+$0xFFFFFFE0]  }
0x119: {  	v14 =	vmul.f32 v34, v14;
	v2 =	vmul.f32 v2, v22;
	v22 =	vand.u32 $0xFFFF0000, v18;
	v27 =	vld [tilespmem:s30+$0xFFFFFFF0]  }
0x11a: {  	v24 =	vmul.f32 v24, v12;
	v21 =	vmul.f32 v6, v21;
	v18 =	vshll.u32 v18, $0x10;
	v34 =	vld [tilespmem:s19+$0x0]  }
0x11b: {  	s5 =	sadd.s32 $0x80, s5;
	v12 =	vmul.f32 v22, v23;
	v6 =	vadd.f32 v2, v14;
	v14 =	vmul.f32 v18, v28;
	v18 =	vld [tilespmem:s30+$0x0]  }
0x11c: {  	v10 =	vshll.u32 v10, $0x10;
	v23 =	vmul.f32 v30, v25;
	v22 =	vmul.f32 v31, v32;
	v2 =	vld [tilespmem:s5+$0x30]  }
0x11d: {  	v6 =	vsub.f32 $0.0e+00, v6;
	v12 =	vadd.f32 v14, v12;
	v10 =	vmul.f32 v10, v35;
	v14 =	vld [tilespmem:s30+$0x10]  }
0x11e: {  	v7 =	vshll.u32 v7, $0x10;
	v20 =	vmul.f32 v33, v20;
	v25 =	vmul.f32 v4, v27;
	v4 =	vld [tilespmem:s5+$0x20]  }
0x11f: {  	v27 =	vmul.f32 $1.442695020e+00, v6;
	v12 =	vsub.f32 $0.0e+00, v12;
	v10 =	vadd.f32 v10, v22;
	v22 =	vld [tilespmem:s30+$0x30]  }
0x120: {  	v20 =	vadd.f32 v25, v20;
	v25 =	vmul.f32 v29, v34;
	v18 =	vmul.f32 v7, v18;
	v6 =	vld.idx.msk [tilespmem:v19+s6+$0x0], $0xffff  }
0x121: {  	v12 =	vmul.f32 $1.442695020e+00, v12;
	v19 =	vsub.f32 $0.0e+00, v10;
	v7 =	vld.idx.msk [tilespmem:v17+s6+$0x0], $0xffff;
	(erf) = vpow2.f32 v27  }
0x122: {  	v17 =	vsub.f32 $0.0e+00, v20;
	v10 =	vld.idx.msk [tilespmem:v16+s6+$0x0], $0xffff;
	v16 =	vadd.f32 v18, v25;
	v5 =	vmul.f32 v5, v14  }
0x123: {  	v9 =	vshll.u32 v9, $0x10;
	v18 =	vld.idx.msk [tilespmem:v13+s6+$0x0], $0xffff;
	v13 =	vmul.f32 $1.442695020e+00, v19;
	(erf) = vpow2.f32 v12  }
0x124: {  	v14 =	vmul.f32 $1.442695020e+00, v17;
	v16 =	vsub.f32 $0.0e+00, v16;
	v19 =	vadd.f32 v5, v23;
	v5 =	vld [tilespmem:s5+$0x10]  }
0x125: {  	v20 =	vadd.f32 v21, v24;
	v12 =	vld.idx.msk [tilespmem:v15+s6+$0x0], $0xffff;
	v15 =	vmul.f32 v9, v22;
	(erf) = vpow2.f32 v13  }
0x126: {  	v17 =	vld.idx.msk [tilespmem:v8+s6+$0x0], $0xffff;
	v13 =	vmul.f32 $1.442695020e+00, v16;
	v16 =	vsub.f32 $0.0e+00, v19;
	(erf) = vpow2.f32 v14  }
0x127: {  	v8 =	vand.u32 $0xFFFF0000, v6;
	v9 =	vld [tilespmem:s5+$0x0];
	v21 =	vadd.f32 v15, v26  }
.Ltmp6:
0x128: {  	v22 =	vsub.f32 $0.0e+00, v20;
	v15 =	vld.idx.msk [tilespmem:v11+s6+$0x0], $0xffff;
	v16 =	vmul.f32 $1.442695020e+00, v16;
	(erf) = vpow2.f32 v13;
	(pc) =	sbr.rel @p0 .LBB2_6-.Ltmp6, $4  }
0x129: {  	v14 =	vand.u32 $0xFFFF0000, v10;
	v23 =	vshll.u32 v18, $0x10;
	v11 =	vand.u32 $0xFFFF0000, v7;
	v13 =	vld [tilespmem:s5+$0xFFFFFFF0]  }
0x12a: {  	v26 =	vmul.f32 $1.442695020e+00, v22;
	v21 =	vsub.f32 $0.0e+00, v21;
	v19 =	vld [tilespmem:s5+$0xFFFFFFC0];
	v20 =	vpop (erf);
	(erf) = vpow2.f32 v16  }
0x12b: {  	v22 =	vand.u32 $0xFFFF0000, v18;
	v18 =	vand.u32 $0xFFFF0000, v12;
	v23 =	vmul.f32 v23, v20;
	v16 =	vld [tilespmem:s5+$0xFFFFFFE0]  }
0x12c: {  	s19 =	sadd.s32 $0x80, s19;
	v24 =	vshll.u32 v17, $0x10;
	v21 =	vmul.f32 $1.442695020e+00, v21;
	v20 =	vld [tilespmem:s5+$0xFFFFFFD0];
	v25 =	vpop (erf);
	(erf) = vpow2.f32 v26  }
0x12d: {  	v22 =	vsub.f32 v22, v23;
	v51 =	vmul.f32 v24, v25;
	v12 =	vshll.u32 v12, $0x10  }
0x12e: {  	v17 =	vand.u32 $0xFFFF0000, v17;
	v52 =	vshll.u32 v15, $0x10;
	v53 =	vpop (erf);
	(erf) = vpow2.f32 v21  }
0x12f: {  	v19 =	vsub.f32 v19, v22;
	v17 =	vsub.f32 v17, v51;
	v54 =	vmul.f32 v52, v53;
	v55 =	vpop (erf)  }
0x130: {  	v56 =	vand.u32 $0xFFFF0000, v15;
	v10 =	vshll.u32 v10, $0x10;
	v12 =	vmul.f32 v12, v55  }
0x131: {  	v1 =	vld.idx.msk [tilespmem:v1+s6+$0x0], $0xffff;
	v19 =	vmul.f32 v19, v19;
	v17 =	vsub.f32 v20, v17;
	v15 =	vsub.f32 v56, v54;
	v57 =	vpop (erf)  }
0x132: {  	v7 =	vshll.u32 v7, $0x10;
	v12 =	vsub.f32 v18, v12;
	v10 =	vmul.f32 v10, v57  }
0x133: {  	v3 =	vadd.f32 v19, v3;
	v17 =	vmul.f32 v17, v17;
	v15 =	vsub.f32 v16, v15;
	v58 =	vpop (erf)  }
0x134: {  	v6 =	vshll.u32 v6, $0x10;
	v10 =	vsub.f32 v14, v10;
	v7 =	vmul.f32 v7, v58  }
0x135: {  	v12 =	vsub.f32 v13, v12;
	v3 =	vadd.f32 v17, v3;
	v59 =	vmul.f32 v15, v15;
	v60 =	vpop (erf)  }
0x136: {  	v61 =	vshll.u32 v1, $0x10;
	v7 =	vsub.f32 v11, v7;
	v6 =	vmul.f32 v6, v60  }
0x137: {  	v12 =	vmul.f32 v12, v12;
	v9 =	vsub.f32 v9, v10;
	v3 =	vadd.f32 v59, v3;
	v62 =	vpop (erf)  }
0x138: {  	v1 =	vand.u32 $0xFFFF0000, v1;
	v6 =	vsub.f32 v8, v6;
	v63 =	vmul.f32 v61, v62  }
0x139: {  	v9 =	vmul.f32 v9, v9;
	v5 =	vsub.f32 v5, v7;
	v3 =	vadd.f32 v12, v3  }
0x13a: {  	v1 =	vsub.f32 v1, v63  }
0x13b: {  	v5 =	vmul.f32 v5, v5;
	v4 =	vsub.f32 v4, v6;
	v3 =	vadd.f32 v9, v3;
	_ =	sdelay $0x1  }
0x13c: {  	v4 =	vmul.f32 v4, v4;
	v1 =	vsub.f32 v2, v1;
	v3 =	vadd.f32 v5, v3  }
0x13d: {  	v2 =	vld [tilespmem:$0x1EB00]  }
0x13e: {  	v1 =	vmul.f32 v1, v1;
	v3 =	vadd.f32 v4, v3;
	_ =	sdelay $0x1  }
.Ltmp7:
0x13f: {  	v1 =	vadd.f32 v1, v3;
	(pc) =	sbr.rel .LBB2_8-.Ltmp7, $3  }
0x140: {  	_ = 	snop  }
0x141: {  	v1 =	vadd.f32 v2, v1;
	_ =	sdelay $0x1  }
0x142: {  	[tilespmem:$0x1EB00] =	vst v1  }
.LBB2_10:
0x143: {  	_ =	sfence.sel $0x180000  }
0x144: {  	[bflag:$0x0] =	sbarrier.arrive $0xFFFF  }
0x145: {  	_ =	strace $0x90000047  }
0x146: {  	s0 =	stileid.u32;
	[bflag:$0x2] =	sbarrier.arrive $0xFFFF  }
0x147: {  	p0 =	sne.s32 s0, $0x0;
	s0 =	rddreg [dreg:$0x5]  }
0x148: {  	s0 =	sadd.s32 @!p0 $0x100000, s0  }
0x149: {  	[sflag:s0] =	ssyncadd.tile.s32 @!p0 $0x1;
	_ =	shalt  }
.Lfunc_end2:
_tile_overlayer_lowered:
.L_overlay_start_2:
0x14a: {  	(tag) =	ssettag $0x2  }
0x14b: {  	s0 =	rddreg [dreg:$0x0];
	s2 =	stileid.u32  }
0x14c: {  	s1 =	rddreg [dreg:$0x1];
	p0 =	sne.s32 s2, $0x0  }
0x14d: {  	s3 =	rddreg [dreg:$0x2];
	[bflag:$0x3] =	sbarrier.arrive $0xFFFF;
	s2 =	simm.s32 @!p0 $0x1C04  }
0x14e: {  	[timem:s3], [sflag:s2] =	dma.local @!p0 [hbm:s0], s1  }
0x14f: {  	s0 =	simm.s32 @!p0 $0x4  }
0x150: {  	_ =	swait.ge @!p0 [sflag:s0], s1  }
0x151: {  	s1 =	ssub.s32 @!p0 $0x0, s1;
	[sflag:s0] =	ssyncset.done @!p0 $0x0  }
0x152: {  	[sflag:s0] =	ssyncadd.s32 @!p0 s1  }
0x153: {  	[bflag:$0x3] =	sbarrier.arrive $0xFFFF  }
0x154: {  	_ =	shalt  }

</sc_bundles>
